<compile_context>
chip_gen: v7x
topology: tpu7x:2x2x1
jax: 0.10.2.dev20260603
libtpu: 0.0.44.dev20260713+nightly
codegen_flags: <defaults>
</compile_context>

<pallas_src>
import functools
import math

import jax
import jax.numpy as jnp
from jax import lax
from jax.experimental import pallas as pl
from jax.experimental.pallas import tpu as pltpu
from jax.experimental.pallas import tpu_sc as plsc

_NC = 2
_NS = 16
_NW = _NC * _NS
_C = 80
_L = 16
_NBUF = 4


def _emb_body(n_chunks, d, scale, x_hbm, table_hbm, out_hbm, idx_v,
              bufs, gsems, ssems):
    wid = lax.axis_index("s") * _NC + lax.axis_index("c")
    base = wid * (n_chunks * _C)
    pltpu.sync_copy(x_hbm.at[wid], idx_v)

    def gather(j, b):
        return pltpu.async_copy(table_hbm.at[idx_v.at[j]], bufs[b], gsems[b])

    def gather_wait(j, b):
        pltpu.make_async_copy(table_hbm.at[idx_v.at[j]], bufs[b],
                              gsems[b]).wait()

    def out_slice(j):
        return out_hbm.at[pl.ds(base + j * _C, _C)]

    def scatter(j, b):
        return pltpu.async_copy(bufs[b], out_slice(j), ssems[b])

    def scatter_wait(j, b):
        pltpu.make_async_copy(bufs[b], out_slice(j), ssems[b]).wait()

    def scale_buf(b):
        buf = bufs[b]

        def scale_row(r, cr):
            for k in range(d // _L):
                sl = pl.ds(k * _L, _L)
                buf[r, sl] = buf[r, sl] * scale
            return cr

        lax.fori_loop(0, _C, scale_row, 0)

    gather(0, 0)
    gather(1, 1)

    def quad(g, carry):
        for b in range(_NBUF):
            j = g * _NBUF + b
            nb = (b + 2) % _NBUF
            gather_wait(j, b)
            scale_buf(b)
            scatter(j, b)

            @pl.when(j + 2 < n_chunks)
            def _():
                @pl.when(j >= 2)
                def _():
                    scatter_wait(j - 2, nb)
                gather(j + 2, nb)

        return carry

    lax.fori_loop(0, n_chunks // _NBUF, quad, 0)

    for b in range(_NBUF):
        scatter_wait(n_chunks - _NBUF + b, b)


def kernel(x, table):
    b0, s0 = x.shape
    _, d = table.shape
    b = b0 * s0
    assert b % (_NW * _C) == 0 and d % _L == 0
    n_chunks = b // (_NW * _C)
    assert n_chunks % _NBUF == 0 and n_chunks >= 2 * _NBUF
    scale = math.sqrt(d)
    xr = x.reshape(_NW, n_chunks, _C).astype(jnp.int32)

    mesh = plsc.VectorSubcoreMesh(
        core_axis_name="c", subcore_axis_name="s",
        num_cores=_NC, num_subcores=_NS)
    run = pl.kernel(
        functools.partial(_emb_body, n_chunks, d, scale),
        out_type=jax.ShapeDtypeStruct((b, d), jnp.float32),
        mesh=mesh,
        scratch_types=[
            pltpu.VMEM((n_chunks, _C), jnp.int32),
            [pltpu.VMEM((_C, d), jnp.float32) for _ in range(_NBUF)],
            [pltpu.SemaphoreType.DMA for _ in range(_NBUF)],
            [pltpu.SemaphoreType.DMA for _ in range(_NBUF)],
        ],
    )
    out = run(xr, table)
    return out.reshape(b0, s0, d)

# --- scband reference (transcript-rebuilt; emitter-appended) ---
"""Pipeline reference for scband-input-embeddings-24446953848999 (READ-ONLY COPY).

The authoritative reference and input builder live on the scoring server;
editing this copy changes nothing except your own understanding.
"""

import jax, jax.numpy as jnp
import numpy as np
import math

VOCAB_SIZE = 100000
D_MODEL = 128

def setup_inputs(seed: int = 0) -> dict:
    key = jax.random.key(seed)
    k1, k2 = jax.random.split(key)
    x = jax.random.randint(k1, (1024, 200), 0, VOCAB_SIZE, dtype=jnp.int64 if jax.config.jax_enable_x64 else jnp.int32)
    table = jax.random.normal(k2, (VOCAB_SIZE, D_MODEL), dtype=jnp.float32)
    return {"x": x, "table": table}

def reference(x, table):
    # nn.Embedding lookup followed by scaling by sqrt(d_model)
    emb = jnp.take(table, x, axis=0)
    return emb * math.sqrt(D_MODEL)

if __name__ == "__main__":
    import jax
    _d = setup_inputs()
    print(jax.jit(kernel)(*tuple(_d.values())))

</pallas_src>

<mosaic_0001>
#map = affine_map<(d0, d1) -> (0, 0, 0)>
#map1 = affine_map<(d0, d1) -> (0, 0)>
module attributes {stable_mosaic.version = 14 : i64} {
  func.func @_emb_body(%arg0: i32, %arg1: i32, %arg2: memref<32x80x80xi32, #tpu.memory_space<hbm>>, %arg3: memref<100000x128xf32, #tpu.memory_space<hbm>>, %arg4: memref<204800x128xf32, #tpu.memory_space<hbm>>, %arg5: memref<80x80xi32, #tpu.memory_space<vmem>>, %arg6: memref<80x128xf32, #tpu.memory_space<vmem>>, %arg7: memref<80x128xf32, #tpu.memory_space<vmem>>, %arg8: memref<80x128xf32, #tpu.memory_space<vmem>>, %arg9: memref<80x128xf32, #tpu.memory_space<vmem>>, %arg10: memref<!tpu.dma_semaphore, #tpu.memory_space<semaphore_mem>>, %arg11: memref<!tpu.dma_semaphore, #tpu.memory_space<semaphore_mem>>, %arg12: memref<!tpu.dma_semaphore, #tpu.memory_space<semaphore_mem>>, %arg13: memref<!tpu.dma_semaphore, #tpu.memory_space<semaphore_mem>>, %arg14: memref<!tpu.dma_semaphore, #tpu.memory_space<semaphore_mem>>, %arg15: memref<!tpu.dma_semaphore, #tpu.memory_space<semaphore_mem>>, %arg16: memref<!tpu.dma_semaphore, #tpu.memory_space<semaphore_mem>>, %arg17: memref<!tpu.dma_semaphore, #tpu.memory_space<semaphore_mem>>) attributes {dimension_semantics = [#tpu.dimension_semantics<core_parallel>, #tpu.dimension_semantics<subcore_parallel>], iteration_bounds = array<i64: 2, 16>, scalar_prefetch = 0 : i64, scratch_operands = 13 : i64, tpu.core_type = #tpu.core_type<sc_vector_subcore>, window_params = [{transform_indices = #map}, {transform_indices = #map1}, {transform_indices = #map1}]} {
    %mul3A = arith.constant 2 : i32
    %mul3A_0 = arith.muli %arg1, %mul3A : i32
    %add3A = arith.addi %mul3A_0, %arg0 : i32
    %mul3A_1 = arith.constant 6400 : i32
    %mul3A_2 = arith.muli %add3A, %mul3A_1 : i32
    "tpu.region"() ({
      %run_scoped3A = tpu.sem_alloc : memref<!tpu.dma_semaphore, #tpu.memory_space<semaphore_mem>>
      %dma_start3A_44 = arith.constant 0 : i32
      %dma_start3A_45 = arith.constant 0 : i32
      %dma_start3A_46 = tpu.memref_slice %arg2[%add3A, %dma_start3A_44, %dma_start3A_45] : memref<32x80x80xi32, #tpu.memory_space<hbm>> -> memref<1x80x80xi32, #tpu.memory_space<hbm>>
      %dma_start3A_47 = tpu.memref_squeeze %dma_start3A_46 : memref<1x80x80xi32, #tpu.memory_space<hbm>> -> memref<80x80xi32, #tpu.memory_space<hbm>>
      %dma_start3A_48 = arith.constant 0 : i32
      %dma_start3A_49 = arith.constant 0 : i32
      %dma_start3A_50 = tpu.memref_slice %arg2[%add3A, %dma_start3A_48, %dma_start3A_49] : memref<32x80x80xi32, #tpu.memory_space<hbm>> -> memref<1x80x80xi32, #tpu.memory_space<hbm>>
      %dma_start3A_51 = tpu.memref_squeeze %dma_start3A_50 : memref<1x80x80xi32, #tpu.memory_space<hbm>> -> memref<80x80xi32, #tpu.memory_space<hbm>>
      tpu.enqueue_dma source(%dma_start3A_51 : memref<80x80xi32, #tpu.memory_space<hbm>>) target(%arg5 : memref<80x80xi32, #tpu.memory_space<vmem>>) target_semaphore(%run_scoped3A : memref<!tpu.dma_semaphore, #tpu.memory_space<semaphore_mem>>)
      %dma_wait3A_52 = arith.constant 0 : i32
      %dma_wait3A_53 = arith.constant 0 : i32
      %dma_wait3A_54 = tpu.memref_slice %arg2[%add3A, %dma_wait3A_52, %dma_wait3A_53] : memref<32x80x80xi32, #tpu.memory_space<hbm>> -> memref<1x80x80xi32, #tpu.memory_space<hbm>>
      %dma_wait3A_55 = tpu.memref_squeeze %dma_wait3A_54 : memref<1x80x80xi32, #tpu.memory_space<hbm>> -> memref<80x80xi32, #tpu.memory_space<hbm>>
      %dma_wait3A_56 = arith.constant 0 : i32
      %dma_wait3A_57 = arith.constant 0 : i32
      %dma_wait3A_58 = tpu.memref_slice %arg2[%add3A, %dma_wait3A_56, %dma_wait3A_57] : memref<32x80x80xi32, #tpu.memory_space<hbm>> -> memref<1x80x80xi32, #tpu.memory_space<hbm>>
      %dma_wait3A_59 = tpu.memref_squeeze %dma_wait3A_58 : memref<1x80x80xi32, #tpu.memory_space<hbm>> -> memref<80x80xi32, #tpu.memory_space<hbm>>
      tpu.wait_dma2 semaphore(%run_scoped3A : memref<!tpu.dma_semaphore, #tpu.memory_space<semaphore_mem>>) src(%dma_wait3A_59 : memref<80x80xi32, #tpu.memory_space<hbm>>) dst(%arg5 : memref<80x80xi32, #tpu.memory_space<vmem>>)
      tpu.yield
    }) : () -> ()
    %dma_start3A = arith.constant 0 : i32
    %dma_start3A_3 = arith.constant 0 : i32
    %dma_start3A_4 = tpu.memref_slice %arg5[%dma_start3A, %dma_start3A_3] : memref<80x80xi32, #tpu.memory_space<vmem>> -> memref<1x80xi32, #tpu.memory_space<vmem>>
    %dma_start3A_5 = tpu.memref_squeeze %dma_start3A_4 : memref<1x80xi32, #tpu.memory_space<vmem>> -> memref<80xi32, #tpu.memory_space<vmem>>
    %dma_start3A_6 = arith.constant 0 : i32
    %dma_start3A_7 = arith.constant 0 : i32
    %dma_start3A_8 = tpu.memref_slice %arg3[%dma_start3A_6, %dma_start3A_7] : memref<100000x128xf32, #tpu.memory_space<hbm>> -> memref<100000x128xf32, #tpu.memory_space<hbm>>
    tpu.enqueue_indirect_dma source(%dma_start3A_8 : memref<100000x128xf32, #tpu.memory_space<hbm>>) target(%arg6 : memref<80x128xf32, #tpu.memory_space<vmem>>) offsets(%dma_start3A_5 : memref<80xi32, #tpu.memory_space<vmem>>) semaphore(%arg10 : memref<!tpu.dma_semaphore, #tpu.memory_space<semaphore_mem>>)
    %dma_start3A_9 = arith.constant 1 : i32
    %dma_start3A_10 = arith.constant 0 : i32
    %dma_start3A_11 = tpu.memref_slice %arg5[%dma_start3A_9, %dma_start3A_10] : memref<80x80xi32, #tpu.memory_space<vmem>> -> memref<1x80xi32, #tpu.memory_space<vmem>>
    %dma_start3A_12 = tpu.memref_squeeze %dma_start3A_11 : memref<1x80xi32, #tpu.memory_space<vmem>> -> memref<80xi32, #tpu.memory_space<vmem>>
    %dma_start3A_13 = arith.constant 0 : i32
    %dma_start3A_14 = arith.constant 0 : i32
    %dma_start3A_15 = tpu.memref_slice %arg3[%dma_start3A_13, %dma_start3A_14] : memref<100000x128xf32, #tpu.memory_space<hbm>> -> memref<100000x128xf32, #tpu.memory_space<hbm>>
    tpu.enqueue_indirect_dma source(%dma_start3A_15 : memref<100000x128xf32, #tpu.memory_space<hbm>>) target(%arg7 : memref<80x128xf32, #tpu.memory_space<vmem>>) offsets(%dma_start3A_12 : memref<80xi32, #tpu.memory_space<vmem>>) semaphore(%arg11 : memref<!tpu.dma_semaphore, #tpu.memory_space<semaphore_mem>>)
    %scan3A = arith.constant 0 : i32
    %scan3A_16 = arith.constant 0 : i32
    %scan3A_17 = arith.constant 20 : i32
    %scan3A_18 = arith.addi %scan3A_16, %scan3A_17 : i32
    %scan3A_19 = arith.constant 1 : i32
    scf.for %scan3A_44 = %scan3A_16 to %scan3A_18 step %scan3A_19  : i32 {
      %mul3A_45 = arith.constant 4 : i32
      %mul3A_46 = arith.muli %scan3A_44, %mul3A_45 : i32
      %add3A_47 = arith.constant 0 : i32
      %add3A_48 = arith.addi %mul3A_46, %add3A_47 : i32
      %dma_wait3A_49 = arith.constant 0 : i32
      %dma_wait3A_50 = tpu.memref_slice %arg5[%add3A_48, %dma_wait3A_49] : memref<80x80xi32, #tpu.memory_space<vmem>> -> memref<1x80xi32, #tpu.memory_space<vmem>>
      %dma_wait3A_51 = tpu.memref_squeeze %dma_wait3A_50 : memref<1x80xi32, #tpu.memory_space<vmem>> -> memref<80xi32, #tpu.memory_space<vmem>>
      %dma_wait3A_52 = arith.constant 0 : i32
      %dma_wait3A_53 = arith.constant 0 : i32
      %dma_wait3A_54 = tpu.memref_slice %arg3[%dma_wait3A_52, %dma_wait3A_53] : memref<100000x128xf32, #tpu.memory_space<hbm>> -> memref<100000x128xf32, #tpu.memory_space<hbm>>
      tpu.wait_indirect_dma semaphore(%arg10 : memref<!tpu.dma_semaphore, #tpu.memory_space<semaphore_mem>>) src(%dma_wait3A_54 : memref<100000x128xf32, #tpu.memory_space<hbm>>) dst(%arg6 : memref<80x128xf32, #tpu.memory_space<vmem>>)
      %scan3A_55 = arith.constant 0 : i32
      %scan3A_56 = arith.constant 0 : i32
      %scan3A_57 = arith.constant 80 : i32
      %scan3A_58 = arith.addi %scan3A_56, %scan3A_57 : i32
      %scan3A_59 = arith.constant 1 : i32
      scf.for %scan3A_162 = %scan3A_56 to %scan3A_58 step %scan3A_59  : i32 {
        %get3A = arith.index_cast %scan3A_162 : i32 to index
        %get3A_163 = arith.constant 0 : index
        %get3A_164 = tpu.vector_load %arg6[%get3A, %get3A_163] {strides = array<i32>} : memref<80x128xf32, #tpu.memory_space<vmem>>, vector<1x16xf32>,
        %get3A_165 = vector.shape_cast %get3A_164 : vector<1x16xf32> to vector<16xf32>
        %mul3A_166 = arith.constant 11.3137083 : f32
        %mul3A_167 = vector.broadcast %mul3A_166 : f32 to vector<16xf32>
        %mul3A_168 = arith.mulf %get3A_165, %mul3A_167 : vector<16xf32>
        %swap3A = arith.index_cast %scan3A_162 : i32 to index
        %swap3A_169 = arith.constant 0 : index
        %swap3A_170 = tpu.vector_load %arg6[%swap3A, %swap3A_169] {strides = array<i32>} : memref<80x128xf32, #tpu.memory_space<vmem>>, vector<1x16xf32>,
        %swap3A_171 = vector.shape_cast %swap3A_170 : vector<1x16xf32> to vector<16xf32>
        %swap3A_172 = vector.shape_cast %mul3A_168 : vector<16xf32> to vector<1x16xf32>
        tpu.vector_store %arg6[%swap3A, %swap3A_169], %swap3A_172 {strides = array<i32>} : memref<80x128xf32, #tpu.memory_space<vmem>>, vector<1x16xf32>,
        %get3A_173 = arith.index_cast %scan3A_162 : i32 to index
        %get3A_174 = arith.constant 16 : index
        %get3A_175 = tpu.vector_load %arg6[%get3A_173, %get3A_174] {strides = array<i32>} : memref<80x128xf32, #tpu.memory_space<vmem>>, vector<1x16xf32>,
        %get3A_176 = vector.shape_cast %get3A_175 : vector<1x16xf32> to vector<16xf32>
        %mul3A_177 = arith.constant 11.3137083 : f32
        %mul3A_178 = vector.broadcast %mul3A_177 : f32 to vector<16xf32>
        %mul3A_179 = arith.mulf %get3A_176, %mul3A_178 : vector<16xf32>
        %swap3A_180 = arith.index_cast %scan3A_162 : i32 to index
        %swap3A_181 = arith.constant 16 : index
        %swap3A_182 = tpu.vector_load %arg6[%swap3A_180, %swap3A_181] {strides = array<i32>} : memref<80x128xf32, #tpu.memory_space<vmem>>, vector<1x16xf32>,
        %swap3A_183 = vector.shape_cast %swap3A_182 : vector<1x16xf32> to vector<16xf32>
        %swap3A_184 = vector.shape_cast %mul3A_179 : vector<16xf32> to vector<1x16xf32>
        tpu.vector_store %arg6[%swap3A_180, %swap3A_181], %swap3A_184 {strides = array<i32>} : memref<80x128xf32, #tpu.memory_space<vmem>>, vector<1x16xf32>,
        %get3A_185 = arith.index_cast %scan3A_162 : i32 to index
        %get3A_186 = arith.constant 32 : index
        %get3A_187 = tpu.vector_load %arg6[%get3A_185, %get3A_186] {strides = array<i32>} : memref<80x128xf32, #tpu.memory_space<vmem>>, vector<1x16xf32>,
        %get3A_188 = vector.shape_cast %get3A_187 : vector<1x16xf32> to vector<16xf32>
        %mul3A_189 = arith.constant 11.3137083 : f32
        %mul3A_190 = vector.broadcast %mul3A_189 : f32 to vector<16xf32>
        %mul3A_191 = arith.mulf %get3A_188, %mul3A_190 : vector<16xf32>
        %swap3A_192 = arith.index_cast %scan3A_162 : i32 to index
        %swap3A_193 = arith.constant 32 : index
        %swap3A_194 = tpu.vector_load %arg6[%swap3A_192, %swap3A_193] {strides = array<i32>} : memref<80x128xf32, #tpu.memory_space<vmem>>, vector<1x16xf32>,
        %swap3A_195 = vector.shape_cast %swap3A_194 : vector<1x16xf32> to vector<16xf32>
        %swap3A_196 = vector.shape_cast %mul3A_191 : vector<16xf32> to vector<1x16xf32>
        tpu.vector_store %arg6[%swap3A_192, %swap3A_193], %swap3A_196 {strides = array<i32>} : memref<80x128xf32, #tpu.memory_space<vmem>>, vector<1x16xf32>,
        %get3A_197 = arith.index_cast %scan3A_162 : i32 to index
        %get3A_198 = arith.constant 48 : index
        %get3A_199 = tpu.vector_load %arg6[%get3A_197, %get3A_198] {strides = array<i32>} : memref<80x128xf32, #tpu.memory_space<vmem>>, vector<1x16xf32>,
        %get3A_200 = vector.shape_cast %get3A_199 : vector<1x16xf32> to vector<16xf32>
        %mul3A_201 = arith.constant 11.3137083 : f32
        %mul3A_202 = vector.broadcast %mul3A_201 : f32 to vector<16xf32>
        %mul3A_203 = arith.mulf %get3A_200, %mul3A_202 : vector<16xf32>
        %swap3A_204 = arith.index_cast %scan3A_162 : i32 to index
        %swap3A_205 = arith.constant 48 : index
        %swap3A_206 = tpu.vector_load %arg6[%swap3A_204, %swap3A_205] {strides = array<i32>} : memref<80x128xf32, #tpu.memory_space<vmem>>, vector<1x16xf32>,
        %swap3A_207 = vector.shape_cast %swap3A_206 : vector<1x16xf32> to vector<16xf32>
        %swap3A_208 = vector.shape_cast %mul3A_203 : vector<16xf32> to vector<1x16xf32>
        tpu.vector_store %arg6[%swap3A_204, %swap3A_205], %swap3A_208 {strides = array<i32>} : memref<80x128xf32, #tpu.memory_space<vmem>>, vector<1x16xf32>,
        %get3A_209 = arith.index_cast %scan3A_162 : i32 to index
        %get3A_210 = arith.constant 64 : index
        %get3A_211 = tpu.vector_load %arg6[%get3A_209, %get3A_210] {strides = array<i32>} : memref<80x128xf32, #tpu.memory_space<vmem>>, vector<1x16xf32>,
        %get3A_212 = vector.shape_cast %get3A_211 : vector<1x16xf32> to vector<16xf32>
        %mul3A_213 = arith.constant 11.3137083 : f32
        %mul3A_214 = vector.broadcast %mul3A_213 : f32 to vector<16xf32>
        %mul3A_215 = arith.mulf %get3A_212, %mul3A_214 : vector<16xf32>
        %swap3A_216 = arith.index_cast %scan3A_162 : i32 to index
        %swap3A_217 = arith.constant 64 : index
        %swap3A_218 = tpu.vector_load %arg6[%swap3A_216, %swap3A_217] {strides = array<i32>} : memref<80x128xf32, #tpu.memory_space<vmem>>, vector<1x16xf32>,
        %swap3A_219 = vector.shape_cast %swap3A_218 : vector<1x16xf32> to vector<16xf32>
        %swap3A_220 = vector.shape_cast %mul3A_215 : vector<16xf32> to vector<1x16xf32>
        tpu.vector_store %arg6[%swap3A_216, %swap3A_217], %swap3A_220 {strides = array<i32>} : memref<80x128xf32, #tpu.memory_space<vmem>>, vector<1x16xf32>,
        %get3A_221 = arith.index_cast %scan3A_162 : i32 to index
        %get3A_222 = arith.constant 80 : index
        %get3A_223 = tpu.vector_load %arg6[%get3A_221, %get3A_222] {strides = array<i32>} : memref<80x128xf32, #tpu.memory_space<vmem>>, vector<1x16xf32>,
        %get3A_224 = vector.shape_cast %get3A_223 : vector<1x16xf32> to vector<16xf32>
        %mul3A_225 = arith.constant 11.3137083 : f32
        %mul3A_226 = vector.broadcast %mul3A_225 : f32 to vector<16xf32>
        %mul3A_227 = arith.mulf %get3A_224, %mul3A_226 : vector<16xf32>
        %swap3A_228 = arith.index_cast %scan3A_162 : i32 to index
        %swap3A_229 = arith.constant 80 : index
        %swap3A_230 = tpu.vector_load %arg6[%swap3A_228, %swap3A_229] {strides = array<i32>} : memref<80x128xf32, #tpu.memory_space<vmem>>, vector<1x16xf32>,
        %swap3A_231 = vector.shape_cast %swap3A_230 : vector<1x16xf32> to vector<16xf32>
        %swap3A_232 = vector.shape_cast %mul3A_227 : vector<16xf32> to vector<1x16xf32>
        tpu.vector_store %arg6[%swap3A_228, %swap3A_229], %swap3A_232 {strides = array<i32>} : memref<80x128xf32, #tpu.memory_space<vmem>>, vector<1x16xf32>,
        %get3A_233 = arith.index_cast %scan3A_162 : i32 to index
        %get3A_234 = arith.constant 96 : index
        %get3A_235 = tpu.vector_load %arg6[%get3A_233, %get3A_234] {strides = array<i32>} : memref<80x128xf32, #tpu.memory_space<vmem>>, vector<1x16xf32>,
        %get3A_236 = vector.shape_cast %get3A_235 : vector<1x16xf32> to vector<16xf32>
        %mul3A_237 = arith.constant 11.3137083 : f32
        %mul3A_238 = vector.broadcast %mul3A_237 : f32 to vector<16xf32>
        %mul3A_239 = arith.mulf %get3A_236, %mul3A_238 : vector<16xf32>
        %swap3A_240 = arith.index_cast %scan3A_162 : i32 to index
        %swap3A_241 = arith.constant 96 : index
        %swap3A_242 = tpu.vector_load %arg6[%swap3A_240, %swap3A_241] {strides = array<i32>} : memref<80x128xf32, #tpu.memory_space<vmem>>, vector<1x16xf32>,
        %swap3A_243 = vector.shape_cast %swap3A_242 : vector<1x16xf32> to vector<16xf32>
        %swap3A_244 = vector.shape_cast %mul3A_239 : vector<16xf32> to vector<1x16xf32>
        tpu.vector_store %arg6[%swap3A_240, %swap3A_241], %swap3A_244 {strides = array<i32>} : memref<80x128xf32, #tpu.memory_space<vmem>>, vector<1x16xf32>,
        %get3A_245 = arith.index_cast %scan3A_162 : i32 to index
        %get3A_246 = arith.constant 112 : index
        %get3A_247 = tpu.vector_load %arg6[%get3A_245, %get3A_246] {strides = array<i32>} : memref<80x128xf32, #tpu.memory_space<vmem>>, vector<1x16xf32>,
        %get3A_248 = vector.shape_cast %get3A_247 : vector<1x16xf32> to vector<16xf32>
        %mul3A_249 = arith.constant 11.3137083 : f32
        %mul3A_250 = vector.broadcast %mul3A_249 : f32 to vector<16xf32>
        %mul3A_251 = arith.mulf %get3A_248, %mul3A_250 : vector<16xf32>
        %swap3A_252 = arith.index_cast %scan3A_162 : i32 to index
        %swap3A_253 = arith.constant 112 : index
        %swap3A_254 = tpu.vector_load %arg6[%swap3A_252, %swap3A_253] {strides = array<i32>} : memref<80x128xf32, #tpu.memory_space<vmem>>, vector<1x16xf32>,
        %swap3A_255 = vector.shape_cast %swap3A_254 : vector<1x16xf32> to vector<16xf32>
        %swap3A_256 = vector.shape_cast %mul3A_251 : vector<16xf32> to vector<1x16xf32>
        tpu.vector_store %arg6[%swap3A_252, %swap3A_253], %swap3A_256 {strides = array<i32>} : memref<80x128xf32, #tpu.memory_space<vmem>>, vector<1x16xf32>,
      }
      %scan3A_60 = arith.constant 80 : i32
      %mul3A_61 = arith.constant 80 : i32
      %mul3A_62 = arith.muli %add3A_48, %mul3A_61 : i32
      %add3A_63 = arith.addi %mul3A_2, %mul3A_62 : i32
      %dma_start3A_64 = arith.constant 0 : i32
      %dma_start3A_65 = tpu.memref_slice %arg4[%add3A_63, %dma_start3A_64] : memref<204800x128xf32, #tpu.memory_space<hbm>> -> memref<80x128xf32, #tpu.memory_space<hbm>>
      %dma_start3A_66 = arith.constant 0 : i32
      %dma_start3A_67 = tpu.memref_slice %arg4[%add3A_63, %dma_start3A_66] : memref<204800x128xf32, #tpu.memory_space<hbm>> -> memref<80x128xf32, #tpu.memory_space<hbm>>
      tpu.enqueue_dma source(%arg6 : memref<80x128xf32, #tpu.memory_space<vmem>>) target(%dma_start3A_67 : memref<80x128xf32, #tpu.memory_space<hbm>>) target_semaphore(%arg14 : memref<!tpu.dma_semaphore, #tpu.memory_space<semaphore_mem>>)
      %add3A_68 = arith.constant 2 : i32
      %add3A_69 = arith.addi %add3A_48, %add3A_68 : i32
      %lt3A = arith.constant 80 : i32
      %lt3A_70 = arith.cmpi slt, %add3A_69, %lt3A : i32
      %convert_element_type3A = arith.extui %lt3A_70 : i1 to i32
      %cond3A = arith.constant 0 : i32
      %cond3A_71 = arith.cmpi ne, %convert_element_type3A, %cond3A : i32
      scf.if %cond3A_71 {
        %ge3A = arith.constant 2 : i32
        %ge3A_162 = arith.cmpi sge, %add3A_48, %ge3A : i32
        %convert_element_type3A_163 = arith.extui %ge3A_162 : i1 to i32
        %cond3A_164 = arith.constant 0 : i32
        %cond3A_165 = arith.cmpi ne, %convert_element_type3A_163, %cond3A_164 : i32
        scf.if %cond3A_165 {
          %sub3A = arith.constant 2 : i32
          %sub3A_174 = arith.subi %add3A_48, %sub3A : i32
          %mul3A_175 = arith.constant 80 : i32
          %mul3A_176 = arith.muli %sub3A_174, %mul3A_175 : i32
          %add3A_177 = arith.addi %mul3A_2, %mul3A_176 : i32
          %dma_wait3A_178 = arith.constant 0 : i32
          %dma_wait3A_179 = tpu.memref_slice %arg4[%add3A_177, %dma_wait3A_178] : memref<204800x128xf32, #tpu.memory_space<hbm>> -> memref<80x128xf32, #tpu.memory_space<hbm>>
          %dma_wait3A_180 = arith.constant 0 : i32
          %dma_wait3A_181 = tpu.memref_slice %arg4[%add3A_177, %dma_wait3A_180] : memref<204800x128xf32, #tpu.memory_space<hbm>> -> memref<80x128xf32, #tpu.memory_space<hbm>>
          tpu.wait_dma2 semaphore(%arg16 : memref<!tpu.dma_semaphore, #tpu.memory_space<semaphore_mem>>) src(%arg8 : memref<80x128xf32, #tpu.memory_space<vmem>>) dst(%dma_wait3A_181 : memref<80x128xf32, #tpu.memory_space<hbm>>)
        } else {
        }
        %add3A_166 = arith.constant 2 : i32
        %add3A_167 = arith.addi %add3A_48, %add3A_166 : i32
        %dma_start3A_168 = arith.constant 0 : i32
        %dma_start3A_169 = tpu.memref_slice %arg5[%add3A_167, %dma_start3A_168] : memref<80x80xi32, #tpu.memory_space<vmem>> -> memref<1x80xi32, #tpu.memory_space<vmem>>
        %dma_start3A_170 = tpu.memref_squeeze %dma_start3A_169 : memref<1x80xi32, #tpu.memory_space<vmem>> -> memref<80xi32, #tpu.memory_space<vmem>>
        %dma_start3A_171 = arith.constant 0 : i32
        %dma_start3A_172 = arith.constant 0 : i32
        %dma_start3A_173 = tpu.memref_slice %arg3[%dma_start3A_171, %dma_start3A_172] : memref<100000x128xf32, #tpu.memory_space<hbm>> -> memref<100000x128xf32, #tpu.memory_space<hbm>>
        tpu.enqueue_indirect_dma source(%dma_start3A_173 : memref<100000x128xf32, #tpu.memory_space<hbm>>) target(%arg8 : memref<80x128xf32, #tpu.memory_space<vmem>>) offsets(%dma_start3A_170 : memref<80xi32, #tpu.memory_space<vmem>>) semaphore(%arg12 : memref<!tpu.dma_semaphore, #tpu.memory_space<semaphore_mem>>)
      } else {
      }
      %mul3A_72 = arith.constant 4 : i32
      %mul3A_73 = arith.muli %scan3A_44, %mul3A_72 : i32
      %add3A_74 = arith.constant 1 : i32
      %add3A_75 = arith.addi %mul3A_73, %add3A_74 : i32
      %dma_wait3A_76 = arith.constant 0 : i32
      %dma_wait3A_77 = tpu.memref_slice %arg5[%add3A_75, %dma_wait3A_76] : memref<80x80xi32, #tpu.memory_space<vmem>> -> memref<1x80xi32, #tpu.memory_space<vmem>>
      %dma_wait3A_78 = tpu.memref_squeeze %dma_wait3A_77 : memref<1x80xi32, #tpu.memory_space<vmem>> -> memref<80xi32, #tpu.memory_space<vmem>>
      %dma_wait3A_79 = arith.constant 0 : i32
      %dma_wait3A_80 = arith.constant 0 : i32
      %dma_wait3A_81 = tpu.memref_slice %arg3[%dma_wait3A_79, %dma_wait3A_80] : memref<100000x128xf32, #tpu.memory_space<hbm>> -> memref<100000x128xf32, #tpu.memory_space<hbm>>
      tpu.wait_indirect_dma semaphore(%arg11 : memref<!tpu.dma_semaphore, #tpu.memory_space<semaphore_mem>>) src(%dma_wait3A_81 : memref<100000x128xf32, #tpu.memory_space<hbm>>) dst(%arg7 : memref<80x128xf32, #tpu.memory_space<vmem>>)
      %scan3A_82 = arith.constant 0 : i32
      %scan3A_83 = arith.constant 0 : i32
      %scan3A_84 = arith.constant 80 : i32
      %scan3A_85 = arith.addi %scan3A_83, %scan3A_84 : i32
      %scan3A_86 = arith.constant 1 : i32
      scf.for %scan3A_162 = %scan3A_83 to %scan3A_85 step %scan3A_86  : i32 {
        %get3A = arith.index_cast %scan3A_162 : i32 to index
        %get3A_163 = arith.constant 0 : index
        %get3A_164 = tpu.vector_load %arg7[%get3A, %get3A_163] {strides = array<i32>} : memref<80x128xf32, #tpu.memory_space<vmem>>, vector<1x16xf32>,
        %get3A_165 = vector.shape_cast %get3A_164 : vector<1x16xf32> to vector<16xf32>
        %mul3A_166 = arith.constant 11.3137083 : f32
        %mul3A_167 = vector.broadcast %mul3A_166 : f32 to vector<16xf32>
        %mul3A_168 = arith.mulf %get3A_165, %mul3A_167 : vector<16xf32>
        %swap3A = arith.index_cast %scan3A_162 : i32 to index
        %swap3A_169 = arith.constant 0 : index
        %swap3A_170 = tpu.vector_load %arg7[%swap3A, %swap3A_169] {strides = array<i32>} : memref<80x128xf32, #tpu.memory_space<vmem>>, vector<1x16xf32>,
        %swap3A_171 = vector.shape_cast %swap3A_170 : vector<1x16xf32> to vector<16xf32>
        %swap3A_172 = vector.shape_cast %mul3A_168 : vector<16xf32> to vector<1x16xf32>
        tpu.vector_store %arg7[%swap3A, %swap3A_169], %swap3A_172 {strides = array<i32>} : memref<80x128xf32, #tpu.memory_space<vmem>>, vector<1x16xf32>,
        %get3A_173 = arith.index_cast %scan3A_162 : i32 to index
        %get3A_174 = arith.constant 16 : index
        %get3A_175 = tpu.vector_load %arg7[%get3A_173, %get3A_174] {strides = array<i32>} : memref<80x128xf32, #tpu.memory_space<vmem>>, vector<1x16xf32>,
        %get3A_176 = vector.shape_cast %get3A_175 : vector<1x16xf32> to vector<16xf32>
        %mul3A_177 = arith.constant 11.3137083 : f32
        %mul3A_178 = vector.broadcast %mul3A_177 : f32 to vector<16xf32>
        %mul3A_179 = arith.mulf %get3A_176, %mul3A_178 : vector<16xf32>
        %swap3A_180 = arith.index_cast %scan3A_162 : i32 to index
        %swap3A_181 = arith.constant 16 : index
        %swap3A_182 = tpu.vector_load %arg7[%swap3A_180, %swap3A_181] {strides = array<i32>} : memref<80x128xf32, #tpu.memory_space<vmem>>, vector<1x16xf32>,
        %swap3A_183 = vector.shape_cast %swap3A_182 : vector<1x16xf32> to vector<16xf32>
        %swap3A_184 = vector.shape_cast %mul3A_179 : vector<16xf32> to vector<1x16xf32>
        tpu.vector_store %arg7[%swap3A_180, %swap3A_181], %swap3A_184 {strides = array<i32>} : memref<80x128xf32, #tpu.memory_space<vmem>>, vector<1x16xf32>,
        %get3A_185 = arith.index_cast %scan3A_162 : i32 to index
        %get3A_186 = arith.constant 32 : index
        %get3A_187 = tpu.vector_load %arg7[%get3A_185, %get3A_186] {strides = array<i32>} : memref<80x128xf32, #tpu.memory_space<vmem>>, vector<1x16xf32>,
        %get3A_188 = vector.shape_cast %get3A_187 : vector<1x16xf32> to vector<16xf32>
        %mul3A_189 = arith.constant 11.3137083 : f32
        %mul3A_190 = vector.broadcast %mul3A_189 : f32 to vector<16xf32>
        %mul3A_191 = arith.mulf %get3A_188, %mul3A_190 : vector<16xf32>
        %swap3A_192 = arith.index_cast %scan3A_162 : i32 to index
        %swap3A_193 = arith.constant 32 : index
        %swap3A_194 = tpu.vector_load %arg7[%swap3A_192, %swap3A_193] {strides = array<i32>} : memref<80x128xf32, #tpu.memory_space<vmem>>, vector<1x16xf32>,
        %swap3A_195 = vector.shape_cast %swap3A_194 : vector<1x16xf32> to vector<16xf32>
        %swap3A_196 = vector.shape_cast %mul3A_191 : vector<16xf32> to vector<1x16xf32>
        tpu.vector_store %arg7[%swap3A_192, %swap3A_193], %swap3A_196 {strides = array<i32>} : memref<80x128xf32, #tpu.memory_space<vmem>>, vector<1x16xf32>,
        %get3A_197 = arith.index_cast %scan3A_162 : i32 to index
        %get3A_198 = arith.constant 48 : index
        %get3A_199 = tpu.vector_load %arg7[%get3A_197, %get3A_198] {strides = array<i32>} : memref<80x128xf32, #tpu.memory_space<vmem>>, vector<1x16xf32>,
        %get3A_200 = vector.shape_cast %get3A_199 : vector<1x16xf32> to vector<16xf32>
        %mul3A_201 = arith.constant 11.3137083 : f32
        %mul3A_202 = vector.broadcast %mul3A_201 : f32 to vector<16xf32>
        %mul3A_203 = arith.mulf %get3A_200, %mul3A_202 : vector<16xf32>
        %swap3A_204 = arith.index_cast %scan3A_162 : i32 to index
        %swap3A_205 = arith.constant 48 : index
        %swap3A_206 = tpu.vector_load %arg7[%swap3A_204, %swap3A_205] {strides = array<i32>} : memref<80x128xf32, #tpu.memory_space<vmem>>, vector<1x16xf32>,
        %swap3A_207 = vector.shape_cast %swap3A_206 : vector<1x16xf32> to vector<16xf32>
        %swap3A_208 = vector.shape_cast %mul3A_203 : vector<16xf32> to vector<1x16xf32>
        tpu.vector_store %arg7[%swap3A_204, %swap3A_205], %swap3A_208 {strides = array<i32>} : memref<80x128xf32, #tpu.memory_space<vmem>>, vector<1x16xf32>,
        %get3A_209 = arith.index_cast %scan3A_162 : i32 to index
        %get3A_210 = arith.constant 64 : index
        %get3A_211 = tpu.vector_load %arg7[%get3A_209, %get3A_210] {strides = array<i32>} : memref<80x128xf32, #tpu.memory_space<vmem>>, vector<1x16xf32>,
        %get3A_212 = vector.shape_cast %get3A_211 : vector<1x16xf32> to vector<16xf32>
        %mul3A_213 = arith.constant 11.3137083 : f32
        %mul3A_214 = vector.broadcast %mul3A_213 : f32 to vector<16xf32>
        %mul3A_215 = arith.mulf %get3A_212, %mul3A_214 : vector<16xf32>
        %swap3A_216 = arith.index_cast %scan3A_162 : i32 to index
        %swap3A_217 = arith.constant 64 : index
        %swap3A_218 = tpu.vector_load %arg7[%swap3A_216, %swap3A_217] {strides = array<i32>} : memref<80x128xf32, #tpu.memory_space<vmem>>, vector<1x16xf32>,
        %swap3A_219 = vector.shape_cast %swap3A_218 : vector<1x16xf32> to vector<16xf32>
        %swap3A_220 = vector.shape_cast %mul3A_215 : vector<16xf32> to vector<1x16xf32>
        tpu.vector_store %arg7[%swap3A_216, %swap3A_217], %swap3A_220 {strides = array<i32>} : memref<80x128xf32, #tpu.memory_space<vmem>>, vector<1x16xf32>,
        %get3A_221 = arith.index_cast %scan3A_162 : i32 to index
        %get3A_222 = arith.constant 80 : index
        %get3A_223 = tpu.vector_load %arg7[%get3A_221, %get3A_222] {strides = array<i32>} : memref<80x128xf32, #tpu.memory_space<vmem>>, vector<1x16xf32>,
        %get3A_224 = vector.shape_cast %get3A_223 : vector<1x16xf32> to vector<16xf32>
        %mul3A_225 = arith.constant 11.3137083 : f32
        %mul3A_226 = vector.broadcast %mul3A_225 : f32 to vector<16xf32>
        %mul3A_227 = arith.mulf %get3A_224, %mul3A_226 : vector<16xf32>
        %swap3A_228 = arith.index_cast %scan3A_162 : i32 to index
        %swap3A_229 = arith.constant 80 : index
        %swap3A_230 = tpu.vector_load %arg7[%swap3A_228, %swap3A_229] {strides = array<i32>} : memref<80x128xf32, #tpu.memory_space<vmem>>, vector<1x16xf32>,
        %swap3A_231 = vector.shape_cast %swap3A_230 : vector<1x16xf32> to vector<16xf32>
        %swap3A_232 = vector.shape_cast %mul3A_227 : vector<16xf32> to vector<1x16xf32>
        tpu.vector_store %arg7[%swap3A_228, %swap3A_229], %swap3A_232 {strides = array<i32>} : memref<80x128xf32, #tpu.memory_space<vmem>>, vector<1x16xf32>,
        %get3A_233 = arith.index_cast %scan3A_162 : i32 to index
        %get3A_234 = arith.constant 96 : index
        %get3A_235 = tpu.vector_load %arg7[%get3A_233, %get3A_234] {strides = array<i32>} : memref<80x128xf32, #tpu.memory_space<vmem>>, vector<1x16xf32>,
        %get3A_236 = vector.shape_cast %get3A_235 : vector<1x16xf32> to vector<16xf32>
        %mul3A_237 = arith.constant 11.3137083 : f32
        %mul3A_238 = vector.broadcast %mul3A_237 : f32 to vector<16xf32>
        %mul3A_239 = arith.mulf %get3A_236, %mul3A_238 : vector<16xf32>
        %swap3A_240 = arith.index_cast %scan3A_162 : i32 to index
        %swap3A_241 = arith.constant 96 : index
        %swap3A_242 = tpu.vector_load %arg7[%swap3A_240, %swap3A_241] {strides = array<i32>} : memref<80x128xf32, #tpu.memory_space<vmem>>, vector<1x16xf32>,
        %swap3A_243 = vector.shape_cast %swap3A_242 : vector<1x16xf32> to vector<16xf32>
        %swap3A_244 = vector.shape_cast %mul3A_239 : vector<16xf32> to vector<1x16xf32>
        tpu.vector_store %arg7[%swap3A_240, %swap3A_241], %swap3A_244 {strides = array<i32>} : memref<80x128xf32, #tpu.memory_space<vmem>>, vector<1x16xf32>,
        %get3A_245 = arith.index_cast %scan3A_162 : i32 to index
        %get3A_246 = arith.constant 112 : index
        %get3A_247 = tpu.vector_load %arg7[%get3A_245, %get3A_246] {strides = array<i32>} : memref<80x128xf32, #tpu.memory_space<vmem>>, vector<1x16xf32>,
        %get3A_248 = vector.shape_cast %get3A_247 : vector<1x16xf32> to vector<16xf32>
        %mul3A_249 = arith.constant 11.3137083 : f32
        %mul3A_250 = vector.broadcast %mul3A_249 : f32 to vector<16xf32>
        %mul3A_251 = arith.mulf %get3A_248, %mul3A_250 : vector<16xf32>
        %swap3A_252 = arith.index_cast %scan3A_162 : i32 to index
        %swap3A_253 = arith.constant 112 : index
        %swap3A_254 = tpu.vector_load %arg7[%swap3A_252, %swap3A_253] {strides = array<i32>} : memref<80x128xf32, #tpu.memory_space<vmem>>, vector<1x16xf32>,
        %swap3A_255 = vector.shape_cast %swap3A_254 : vector<1x16xf32> to vector<16xf32>
        %swap3A_256 = vector.shape_cast %mul3A_251 : vector<16xf32> to vector<1x16xf32>
        tpu.vector_store %arg7[%swap3A_252, %swap3A_253], %swap3A_256 {strides = array<i32>} : memref<80x128xf32, #tpu.memory_space<vmem>>, vector<1x16xf32>,
      }
      %scan3A_87 = arith.constant 80 : i32
      %mul3A_88 = arith.constant 80 : i32
      %mul3A_89 = arith.muli %add3A_75, %mul3A_88 : i32
      %add3A_90 = arith.addi %mul3A_2, %mul3A_89 : i32
      %dma_start3A_91 = arith.constant 0 : i32
      %dma_start3A_92 = tpu.memref_slice %arg4[%add3A_90, %dma_start3A_91] : memref<204800x128xf32, #tpu.memory_space<hbm>> -> memref<80x128xf32, #tpu.memory_space<hbm>>
      %dma_start3A_93 = arith.constant 0 : i32
      %dma_start3A_94 = tpu.memref_slice %arg4[%add3A_90, %dma_start3A_93] : memref<204800x128xf32, #tpu.memory_space<hbm>> -> memref<80x128xf32, #tpu.memory_space<hbm>>
      tpu.enqueue_dma source(%arg7 : memref<80x128xf32, #tpu.memory_space<vmem>>) target(%dma_start3A_94 : memref<80x128xf32, #tpu.memory_space<hbm>>) target_semaphore(%arg15 : memref<!tpu.dma_semaphore, #tpu.memory_space<semaphore_mem>>)
      %add3A_95 = arith.constant 2 : i32
      %add3A_96 = arith.addi %add3A_75, %add3A_95 : i32
      %lt3A_97 = arith.constant 80 : i32
      %lt3A_98 = arith.cmpi slt, %add3A_96, %lt3A_97 : i32
      %convert_element_type3A_99 = arith.extui %lt3A_98 : i1 to i32
      %cond3A_100 = arith.constant 0 : i32
      %cond3A_101 = arith.cmpi ne, %convert_element_type3A_99, %cond3A_100 : i32
      scf.if %cond3A_101 {
        %ge3A = arith.constant 2 : i32
        %ge3A_162 = arith.cmpi sge, %add3A_75, %ge3A : i32
        %convert_element_type3A_163 = arith.extui %ge3A_162 : i1 to i32
        %cond3A_164 = arith.constant 0 : i32
        %cond3A_165 = arith.cmpi ne, %convert_element_type3A_163, %cond3A_164 : i32
        scf.if %cond3A_165 {
          %sub3A = arith.constant 2 : i32
          %sub3A_174 = arith.subi %add3A_75, %sub3A : i32
          %mul3A_175 = arith.constant 80 : i32
          %mul3A_176 = arith.muli %sub3A_174, %mul3A_175 : i32
          %add3A_177 = arith.addi %mul3A_2, %mul3A_176 : i32
          %dma_wait3A_178 = arith.constant 0 : i32
          %dma_wait3A_179 = tpu.memref_slice %arg4[%add3A_177, %dma_wait3A_178] : memref<204800x128xf32, #tpu.memory_space<hbm>> -> memref<80x128xf32, #tpu.memory_space<hbm>>
          %dma_wait3A_180 = arith.constant 0 : i32
          %dma_wait3A_181 = tpu.memref_slice %arg4[%add3A_177, %dma_wait3A_180] : memref<204800x128xf32, #tpu.memory_space<hbm>> -> memref<80x128xf32, #tpu.memory_space<hbm>>
          tpu.wait_dma2 semaphore(%arg17 : memref<!tpu.dma_semaphore, #tpu.memory_space<semaphore_mem>>) src(%arg9 : memref<80x128xf32, #tpu.memory_space<vmem>>) dst(%dma_wait3A_181 : memref<80x128xf32, #tpu.memory_space<hbm>>)
        } else {
        }
        %add3A_166 = arith.constant 2 : i32
        %add3A_167 = arith.addi %add3A_75, %add3A_166 : i32
        %dma_start3A_168 = arith.constant 0 : i32
        %dma_start3A_169 = tpu.memref_slice %arg5[%add3A_167, %dma_start3A_168] : memref<80x80xi32, #tpu.memory_space<vmem>> -> memref<1x80xi32, #tpu.memory_space<vmem>>
        %dma_start3A_170 = tpu.memref_squeeze %dma_start3A_169 : memref<1x80xi32, #tpu.memory_space<vmem>> -> memref<80xi32, #tpu.memory_space<vmem>>
        %dma_start3A_171 = arith.constant 0 : i32
        %dma_start3A_172 = arith.constant 0 : i32
        %dma_start3A_173 = tpu.memref_slice %arg3[%dma_start3A_171, %dma_start3A_172] : memref<100000x128xf32, #tpu.memory_space<hbm>> -> memref<100000x128xf32, #tpu.memory_space<hbm>>
        tpu.enqueue_indirect_dma source(%dma_start3A_173 : memref<100000x128xf32, #tpu.memory_space<hbm>>) target(%arg9 : memref<80x128xf32, #tpu.memory_space<vmem>>) offsets(%dma_start3A_170 : memref<80xi32, #tpu.memory_space<vmem>>) semaphore(%arg13 : memref<!tpu.dma_semaphore, #tpu.memory_space<semaphore_mem>>)
      } else {
      }
      %mul3A_102 = arith.constant 4 : i32
      %mul3A_103 = arith.muli %scan3A_44, %mul3A_102 : i32
      %add3A_104 = arith.constant 2 : i32
      %add3A_105 = arith.addi %mul3A_103, %add3A_104 : i32
      %dma_wait3A_106 = arith.constant 0 : i32
      %dma_wait3A_107 = tpu.memref_slice %arg5[%add3A_105, %dma_wait3A_106] : memref<80x80xi32, #tpu.memory_space<vmem>> -> memref<1x80xi32, #tpu.memory_space<vmem>>
      %dma_wait3A_108 = tpu.memref_squeeze %dma_wait3A_107 : memref<1x80xi32, #tpu.memory_space<vmem>> -> memref<80xi32, #tpu.memory_space<vmem>>
      %dma_wait3A_109 = arith.constant 0 : i32
      %dma_wait3A_110 = arith.constant 0 : i32
      %dma_wait3A_111 = tpu.memref_slice %arg3[%dma_wait3A_109, %dma_wait3A_110] : memref<100000x128xf32, #tpu.memory_space<hbm>> -> memref<100000x128xf32, #tpu.memory_space<hbm>>
      tpu.wait_indirect_dma semaphore(%arg12 : memref<!tpu.dma_semaphore, #tpu.memory_space<semaphore_mem>>) src(%dma_wait3A_111 : memref<100000x128xf32, #tpu.memory_space<hbm>>) dst(%arg8 : memref<80x128xf32, #tpu.memory_space<vmem>>)
      %scan3A_112 = arith.constant 0 : i32
      %scan3A_113 = arith.constant 0 : i32
      %scan3A_114 = arith.constant 80 : i32
      %scan3A_115 = arith.addi %scan3A_113, %scan3A_114 : i32
      %scan3A_116 = arith.constant 1 : i32
      scf.for %scan3A_162 = %scan3A_113 to %scan3A_115 step %scan3A_116  : i32 {
        %get3A = arith.index_cast %scan3A_162 : i32 to index
        %get3A_163 = arith.constant 0 : index
        %get3A_164 = tpu.vector_load %arg8[%get3A, %get3A_163] {strides = array<i32>} : memref<80x128xf32, #tpu.memory_space<vmem>>, vector<1x16xf32>,
        %get3A_165 = vector.shape_cast %get3A_164 : vector<1x16xf32> to vector<16xf32>
        %mul3A_166 = arith.constant 11.3137083 : f32
        %mul3A_167 = vector.broadcast %mul3A_166 : f32 to vector<16xf32>
        %mul3A_168 = arith.mulf %get3A_165, %mul3A_167 : vector<16xf32>
        %swap3A = arith.index_cast %scan3A_162 : i32 to index
        %swap3A_169 = arith.constant 0 : index
        %swap3A_170 = tpu.vector_load %arg8[%swap3A, %swap3A_169] {strides = array<i32>} : memref<80x128xf32, #tpu.memory_space<vmem>>, vector<1x16xf32>,
        %swap3A_171 = vector.shape_cast %swap3A_170 : vector<1x16xf32> to vector<16xf32>
        %swap3A_172 = vector.shape_cast %mul3A_168 : vector<16xf32> to vector<1x16xf32>
        tpu.vector_store %arg8[%swap3A, %swap3A_169], %swap3A_172 {strides = array<i32>} : memref<80x128xf32, #tpu.memory_space<vmem>>, vector<1x16xf32>,
        %get3A_173 = arith.index_cast %scan3A_162 : i32 to index
        %get3A_174 = arith.constant 16 : index
        %get3A_175 = tpu.vector_load %arg8[%get3A_173, %get3A_174] {strides = array<i32>} : memref<80x128xf32, #tpu.memory_space<vmem>>, vector<1x16xf32>,
        %get3A_176 = vector.shape_cast %get3A_175 : vector<1x16xf32> to vector<16xf32>
        %mul3A_177 = arith.constant 11.3137083 : f32
        %mul3A_178 = vector.broadcast %mul3A_177 : f32 to vector<16xf32>
        %mul3A_179 = arith.mulf %get3A_176, %mul3A_178 : vector<16xf32>
        %swap3A_180 = arith.index_cast %scan3A_162 : i32 to index
        %swap3A_181 = arith.constant 16 : index
        %swap3A_182 = tpu.vector_load %arg8[%swap3A_180, %swap3A_181] {strides = array<i32>} : memref<80x128xf32, #tpu.memory_space<vmem>>, vector<1x16xf32>,
        %swap3A_183 = vector.shape_cast %swap3A_182 : vector<1x16xf32> to vector<16xf32>
        %swap3A_184 = vector.shape_cast %mul3A_179 : vector<16xf32> to vector<1x16xf32>
        tpu.vector_store %arg8[%swap3A_180, %swap3A_181], %swap3A_184 {strides = array<i32>} : memref<80x128xf32, #tpu.memory_space<vmem>>, vector<1x16xf32>,
        %get3A_185 = arith.index_cast %scan3A_162 : i32 to index
        %get3A_186 = arith.constant 32 : index
        %get3A_187 = tpu.vector_load %arg8[%get3A_185, %get3A_186] {strides = array<i32>} : memref<80x128xf32, #tpu.memory_space<vmem>>, vector<1x16xf32>,
        %get3A_188 = vector.shape_cast %get3A_187 : vector<1x16xf32> to vector<16xf32>
        %mul3A_189 = arith.constant 11.3137083 : f32
        %mul3A_190 = vector.broadcast %mul3A_189 : f32 to vector<16xf32>
        %mul3A_191 = arith.mulf %get3A_188, %mul3A_190 : vector<16xf32>
        %swap3A_192 = arith.index_cast %scan3A_162 : i32 to index
        %swap3A_193 = arith.constant 32 : index
        %swap3A_194 = tpu.vector_load %arg8[%swap3A_192, %swap3A_193] {strides = array<i32>} : memref<80x128xf32, #tpu.memory_space<vmem>>, vector<1x16xf32>,
        %swap3A_195 = vector.shape_cast %swap3A_194 : vector<1x16xf32> to vector<16xf32>
        %swap3A_196 = vector.shape_cast %mul3A_191 : vector<16xf32> to vector<1x16xf32>
        tpu.vector_store %arg8[%swap3A_192, %swap3A_193], %swap3A_196 {strides = array<i32>} : memref<80x128xf32, #tpu.memory_space<vmem>>, vector<1x16xf32>,
        %get3A_197 = arith.index_cast %scan3A_162 : i32 to index
        %get3A_198 = arith.constant 48 : index
        %get3A_199 = tpu.vector_load %arg8[%get3A_197, %get3A_198] {strides = array<i32>} : memref<80x128xf32, #tpu.memory_space<vmem>>, vector<1x16xf32>,
        %get3A_200 = vector.shape_cast %get3A_199 : vector<1x16xf32> to vector<16xf32>
        %mul3A_201 = arith.constant 11.3137083 : f32
        %mul3A_202 = vector.broadcast %mul3A_201 : f32 to vector<16xf32>
        %mul3A_203 = arith.mulf %get3A_200, %mul3A_202 : vector<16xf32>
        %swap3A_204 = arith.index_cast %scan3A_162 : i32 to index
        %swap3A_205 = arith.constant 48 : index
        %swap3A_206 = tpu.vector_load %arg8[%swap3A_204, %swap3A_205] {strides = array<i32>} : memref<80x128xf32, #tpu.memory_space<vmem>>, vector<1x16xf32>,
        %swap3A_207 = vector.shape_cast %swap3A_206 : vector<1x16xf32> to vector<16xf32>
        %swap3A_208 = vector.shape_cast %mul3A_203 : vector<16xf32> to vector<1x16xf32>
        tpu.vector_store %arg8[%swap3A_204, %swap3A_205], %swap3A_208 {strides = array<i32>} : memref<80x128xf32, #tpu.memory_space<vmem>>, vector<1x16xf32>,
        %get3A_209 = arith.index_cast %scan3A_162 : i32 to index
        %get3A_210 = arith.constant 64 : index
        %get3A_211 = tpu.vector_load %arg8[%get3A_209, %get3A_210] {strides = array<i32>} : memref<80x128xf32, #tpu.memory_space<vmem>>, vector<1x16xf32>,
        %get3A_212 = vector.shape_cast %get3A_211 : vector<1x16xf32> to vector<16xf32>
        %mul3A_213 = arith.constant 11.3137083 : f32
        %mul3A_214 = vector.broadcast %mul3A_213 : f32 to vector<16xf32>
        %mul3A_215 = arith.mulf %get3A_212, %mul3A_214 : vector<16xf32>
        %swap3A_216 = arith.index_cast %scan3A_162 : i32 to index
        %swap3A_217 = arith.constant 64 : index
        %swap3A_218 = tpu.vector_load %arg8[%swap3A_216, %swap3A_217] {strides = array<i32>} : memref<80x128xf32, #tpu.memory_space<vmem>>, vector<1x16xf32>,
        %swap3A_219 = vector.shape_cast %swap3A_218 : vector<1x16xf32> to vector<16xf32>
        %swap3A_220 = vector.shape_cast %mul3A_215 : vector<16xf32> to vector<1x16xf32>
        tpu.vector_store %arg8[%swap3A_216, %swap3A_217], %swap3A_220 {strides = array<i32>} : memref<80x128xf32, #tpu.memory_space<vmem>>, vector<1x16xf32>,
        %get3A_221 = arith.index_cast %scan3A_162 : i32 to index
        %get3A_222 = arith.constant 80 : index
        %get3A_223 = tpu.vector_load %arg8[%get3A_221, %get3A_222] {strides = array<i32>} : memref<80x128xf32, #tpu.memory_space<vmem>>, vector<1x16xf32>,
        %get3A_224 = vector.shape_cast %get3A_223 : vector<1x16xf32> to vector<16xf32>
        %mul3A_225 = arith.constant 11.3137083 : f32
        %mul3A_226 = vector.broadcast %mul3A_225 : f32 to vector<16xf32>
        %mul3A_227 = arith.mulf %get3A_224, %mul3A_226 : vector<16xf32>
        %swap3A_228 = arith.index_cast %scan3A_162 : i32 to index
        %swap3A_229 = arith.constant 80 : index
        %swap3A_230 = tpu.vector_load %arg8[%swap3A_228, %swap3A_229] {strides = array<i32>} : memref<80x128xf32, #tpu.memory_space<vmem>>, vector<1x16xf32>,
        %swap3A_231 = vector.shape_cast %swap3A_230 : vector<1x16xf32> to vector<16xf32>
        %swap3A_232 = vector.shape_cast %mul3A_227 : vector<16xf32> to vector<1x16xf32>
        tpu.vector_store %arg8[%swap3A_228, %swap3A_229], %swap3A_232 {strides = array<i32>} : memref<80x128xf32, #tpu.memory_space<vmem>>, vector<1x16xf32>,
        %get3A_233 = arith.index_cast %scan3A_162 : i32 to index
        %get3A_234 = arith.constant 96 : index
        %get3A_235 = tpu.vector_load %arg8[%get3A_233, %get3A_234] {strides = array<i32>} : memref<80x128xf32, #tpu.memory_space<vmem>>, vector<1x16xf32>,
        %get3A_236 = vector.shape_cast %get3A_235 : vector<1x16xf32> to vector<16xf32>
        %mul3A_237 = arith.constant 11.3137083 : f32
        %mul3A_238 = vector.broadcast %mul3A_237 : f32 to vector<16xf32>
        %mul3A_239 = arith.mulf %get3A_236, %mul3A_238 : vector<16xf32>
        %swap3A_240 = arith.index_cast %scan3A_162 : i32 to index
        %swap3A_241 = arith.constant 96 : index
        %swap3A_242 = tpu.vector_load %arg8[%swap3A_240, %swap3A_241] {strides = array<i32>} : memref<80x128xf32, #tpu.memory_space<vmem>>, vector<1x16xf32>,
        %swap3A_243 = vector.shape_cast %swap3A_242 : vector<1x16xf32> to vector<16xf32>
        %swap3A_244 = vector.shape_cast %mul3A_239 : vector<16xf32> to vector<1x16xf32>
        tpu.vector_store %arg8[%swap3A_240, %swap3A_241], %swap3A_244 {strides = array<i32>} : memref<80x128xf32, #tpu.memory_space<vmem>>, vector<1x16xf32>,
        %get3A_245 = arith.index_cast %scan3A_162 : i32 to index
        %get3A_246 = arith.constant 112 : index
        %get3A_247 = tpu.vector_load %arg8[%get3A_245, %get3A_246] {strides = array<i32>} : memref<80x128xf32, #tpu.memory_space<vmem>>, vector<1x16xf32>,
        %get3A_248 = vector.shape_cast %get3A_247 : vector<1x16xf32> to vector<16xf32>
        %mul3A_249 = arith.constant 11.3137083 : f32
        %mul3A_250 = vector.broadcast %mul3A_249 : f32 to vector<16xf32>
        %mul3A_251 = arith.mulf %get3A_248, %mul3A_250 : vector<16xf32>
        %swap3A_252 = arith.index_cast %scan3A_162 : i32 to index
        %swap3A_253 = arith.constant 112 : index
        %swap3A_254 = tpu.vector_load %arg8[%swap3A_252, %swap3A_253] {strides = array<i32>} : memref<80x128xf32, #tpu.memory_space<vmem>>, vector<1x16xf32>,
        %swap3A_255 = vector.shape_cast %swap3A_254 : vector<1x16xf32> to vector<16xf32>
        %swap3A_256 = vector.shape_cast %mul3A_251 : vector<16xf32> to vector<1x16xf32>
        tpu.vector_store %arg8[%swap3A_252, %swap3A_253], %swap3A_256 {strides = array<i32>} : memref<80x128xf32, #tpu.memory_space<vmem>>, vector<1x16xf32>,
      }
      %scan3A_117 = arith.constant 80 : i32
      %mul3A_118 = arith.constant 80 : i32
      %mul3A_119 = arith.muli %add3A_105, %mul3A_118 : i32
      %add3A_120 = arith.addi %mul3A_2, %mul3A_119 : i32
      %dma_start3A_121 = arith.constant 0 : i32
      %dma_start3A_122 = tpu.memref_slice %arg4[%add3A_120, %dma_start3A_121] : memref<204800x128xf32, #tpu.memory_space<hbm>> -> memref<80x128xf32, #tpu.memory_space<hbm>>
      %dma_start3A_123 = arith.constant 0 : i32
      %dma_start3A_124 = tpu.memref_slice %arg4[%add3A_120, %dma_start3A_123] : memref<204800x128xf32, #tpu.memory_space<hbm>> -> memref<80x128xf32, #tpu.memory_space<hbm>>
      tpu.enqueue_dma source(%arg8 : memref<80x128xf32, #tpu.memory_space<vmem>>) target(%dma_start3A_124 : memref<80x128xf32, #tpu.memory_space<hbm>>) target_semaphore(%arg16 : memref<!tpu.dma_semaphore, #tpu.memory_space<semaphore_mem>>)
      %add3A_125 = arith.constant 2 : i32
      %add3A_126 = arith.addi %add3A_105, %add3A_125 : i32
      %lt3A_127 = arith.constant 80 : i32
      %lt3A_128 = arith.cmpi slt, %add3A_126, %lt3A_127 : i32
      %convert_element_type3A_129 = arith.extui %lt3A_128 : i1 to i32
      %cond3A_130 = arith.constant 0 : i32
      %cond3A_131 = arith.cmpi ne, %convert_element_type3A_129, %cond3A_130 : i32
      scf.if %cond3A_131 {
        %ge3A = arith.constant 2 : i32
        %ge3A_162 = arith.cmpi sge, %add3A_105, %ge3A : i32
        %convert_element_type3A_163 = arith.extui %ge3A_162 : i1 to i32
        %cond3A_164 = arith.constant 0 : i32
        %cond3A_165 = arith.cmpi ne, %convert_element_type3A_163, %cond3A_164 : i32
        scf.if %cond3A_165 {
          %sub3A = arith.constant 2 : i32
          %sub3A_174 = arith.subi %add3A_105, %sub3A : i32
          %mul3A_175 = arith.constant 80 : i32
          %mul3A_176 = arith.muli %sub3A_174, %mul3A_175 : i32
          %add3A_177 = arith.addi %mul3A_2, %mul3A_176 : i32
          %dma_wait3A_178 = arith.constant 0 : i32
          %dma_wait3A_179 = tpu.memref_slice %arg4[%add3A_177, %dma_wait3A_178] : memref<204800x128xf32, #tpu.memory_space<hbm>> -> memref<80x128xf32, #tpu.memory_space<hbm>>
          %dma_wait3A_180 = arith.constant 0 : i32
          %dma_wait3A_181 = tpu.memref_slice %arg4[%add3A_177, %dma_wait3A_180] : memref<204800x128xf32, #tpu.memory_space<hbm>> -> memref<80x128xf32, #tpu.memory_space<hbm>>
          tpu.wait_dma2 semaphore(%arg14 : memref<!tpu.dma_semaphore, #tpu.memory_space<semaphore_mem>>) src(%arg6 : memref<80x128xf32, #tpu.memory_space<vmem>>) dst(%dma_wait3A_181 : memref<80x128xf32, #tpu.memory_space<hbm>>)
        } else {
        }
        %add3A_166 = arith.constant 2 : i32
        %add3A_167 = arith.addi %add3A_105, %add3A_166 : i32
        %dma_start3A_168 = arith.constant 0 : i32
        %dma_start3A_169 = tpu.memref_slice %arg5[%add3A_167, %dma_start3A_168] : memref<80x80xi32, #tpu.memory_space<vmem>> -> memref<1x80xi32, #tpu.memory_space<vmem>>
        %dma_start3A_170 = tpu.memref_squeeze %dma_start3A_169 : memref<1x80xi32, #tpu.memory_space<vmem>> -> memref<80xi32, #tpu.memory_space<vmem>>
        %dma_start3A_171 = arith.constant 0 : i32
        %dma_start3A_172 = arith.constant 0 : i32
        %dma_start3A_173 = tpu.memref_slice %arg3[%dma_start3A_171, %dma_start3A_172] : memref<100000x128xf32, #tpu.memory_space<hbm>> -> memref<100000x128xf32, #tpu.memory_space<hbm>>
        tpu.enqueue_indirect_dma source(%dma_start3A_173 : memref<100000x128xf32, #tpu.memory_space<hbm>>) target(%arg6 : memref<80x128xf32, #tpu.memory_space<vmem>>) offsets(%dma_start3A_170 : memref<80xi32, #tpu.memory_space<vmem>>) semaphore(%arg10 : memref<!tpu.dma_semaphore, #tpu.memory_space<semaphore_mem>>)
      } else {
      }
      %mul3A_132 = arith.constant 4 : i32
      %mul3A_133 = arith.muli %scan3A_44, %mul3A_132 : i32
      %add3A_134 = arith.constant 3 : i32
      %add3A_135 = arith.addi %mul3A_133, %add3A_134 : i32
      %dma_wait3A_136 = arith.constant 0 : i32
      %dma_wait3A_137 = tpu.memref_slice %arg5[%add3A_135, %dma_wait3A_136] : memref<80x80xi32, #tpu.memory_space<vmem>> -> memref<1x80xi32, #tpu.memory_space<vmem>>
      %dma_wait3A_138 = tpu.memref_squeeze %dma_wait3A_137 : memref<1x80xi32, #tpu.memory_space<vmem>> -> memref<80xi32, #tpu.memory_space<vmem>>
      %dma_wait3A_139 = arith.constant 0 : i32
      %dma_wait3A_140 = arith.constant 0 : i32
      %dma_wait3A_141 = tpu.memref_slice %arg3[%dma_wait3A_139, %dma_wait3A_140] : memref<100000x128xf32, #tpu.memory_space<hbm>> -> memref<100000x128xf32, #tpu.memory_space<hbm>>
      tpu.wait_indirect_dma semaphore(%arg13 : memref<!tpu.dma_semaphore, #tpu.memory_space<semaphore_mem>>) src(%dma_wait3A_141 : memref<100000x128xf32, #tpu.memory_space<hbm>>) dst(%arg9 : memref<80x128xf32, #tpu.memory_space<vmem>>)
      %scan3A_142 = arith.constant 0 : i32
      %scan3A_143 = arith.constant 0 : i32
      %scan3A_144 = arith.constant 80 : i32
      %scan3A_145 = arith.addi %scan3A_143, %scan3A_144 : i32
      %scan3A_146 = arith.constant 1 : i32
      scf.for %scan3A_162 = %scan3A_143 to %scan3A_145 step %scan3A_146  : i32 {
        %get3A = arith.index_cast %scan3A_162 : i32 to index
        %get3A_163 = arith.constant 0 : index
        %get3A_164 = tpu.vector_load %arg9[%get3A, %get3A_163] {strides = array<i32>} : memref<80x128xf32, #tpu.memory_space<vmem>>, vector<1x16xf32>,
        %get3A_165 = vector.shape_cast %get3A_164 : vector<1x16xf32> to vector<16xf32>
        %mul3A_166 = arith.constant 11.3137083 : f32
        %mul3A_167 = vector.broadcast %mul3A_166 : f32 to vector<16xf32>
        %mul3A_168 = arith.mulf %get3A_165, %mul3A_167 : vector<16xf32>
        %swap3A = arith.index_cast %scan3A_162 : i32 to index
        %swap3A_169 = arith.constant 0 : index
        %swap3A_170 = tpu.vector_load %arg9[%swap3A, %swap3A_169] {strides = array<i32>} : memref<80x128xf32, #tpu.memory_space<vmem>>, vector<1x16xf32>,
        %swap3A_171 = vector.shape_cast %swap3A_170 : vector<1x16xf32> to vector<16xf32>
        %swap3A_172 = vector.shape_cast %mul3A_168 : vector<16xf32> to vector<1x16xf32>
        tpu.vector_store %arg9[%swap3A, %swap3A_169], %swap3A_172 {strides = array<i32>} : memref<80x128xf32, #tpu.memory_space<vmem>>, vector<1x16xf32>,
        %get3A_173 = arith.index_cast %scan3A_162 : i32 to index
        %get3A_174 = arith.constant 16 : index
        %get3A_175 = tpu.vector_load %arg9[%get3A_173, %get3A_174] {strides = array<i32>} : memref<80x128xf32, #tpu.memory_space<vmem>>, vector<1x16xf32>,
        %get3A_176 = vector.shape_cast %get3A_175 : vector<1x16xf32> to vector<16xf32>
        %mul3A_177 = arith.constant 11.3137083 : f32
        %mul3A_178 = vector.broadcast %mul3A_177 : f32 to vector<16xf32>
        %mul3A_179 = arith.mulf %get3A_176, %mul3A_178 : vector<16xf32>
        %swap3A_180 = arith.index_cast %scan3A_162 : i32 to index
        %swap3A_181 = arith.constant 16 : index
        %swap3A_182 = tpu.vector_load %arg9[%swap3A_180, %swap3A_181] {strides = array<i32>} : memref<80x128xf32, #tpu.memory_space<vmem>>, vector<1x16xf32>,
        %swap3A_183 = vector.shape_cast %swap3A_182 : vector<1x16xf32> to vector<16xf32>
        %swap3A_184 = vector.shape_cast %mul3A_179 : vector<16xf32> to vector<1x16xf32>
        tpu.vector_store %arg9[%swap3A_180, %swap3A_181], %swap3A_184 {strides = array<i32>} : memref<80x128xf32, #tpu.memory_space<vmem>>, vector<1x16xf32>,
        %get3A_185 = arith.index_cast %scan3A_162 : i32 to index
        %get3A_186 = arith.constant 32 : index
        %get3A_187 = tpu.vector_load %arg9[%get3A_185, %get3A_186] {strides = array<i32>} : memref<80x128xf32, #tpu.memory_space<vmem>>, vector<1x16xf32>,
        %get3A_188 = vector.shape_cast %get3A_187 : vector<1x16xf32> to vector<16xf32>
        %mul3A_189 = arith.constant 11.3137083 : f32
        %mul3A_190 = vector.broadcast %mul3A_189 : f32 to vector<16xf32>
        %mul3A_191 = arith.mulf %get3A_188, %mul3A_190 : vector<16xf32>
        %swap3A_192 = arith.index_cast %scan3A_162 : i32 to index
        %swap3A_193 = arith.constant 32 : index
        %swap3A_194 = tpu.vector_load %arg9[%swap3A_192, %swap3A_193] {strides = array<i32>} : memref<80x128xf32, #tpu.memory_space<vmem>>, vector<1x16xf32>,
        %swap3A_195 = vector.shape_cast %swap3A_194 : vector<1x16xf32> to vector<16xf32>
        %swap3A_196 = vector.shape_cast %mul3A_191 : vector<16xf32> to vector<1x16xf32>
        tpu.vector_store %arg9[%swap3A_192, %swap3A_193], %swap3A_196 {strides = array<i32>} : memref<80x128xf32, #tpu.memory_space<vmem>>, vector<1x16xf32>,
        %get3A_197 = arith.index_cast %scan3A_162 : i32 to index
        %get3A_198 = arith.constant 48 : index
        %get3A_199 = tpu.vector_load %arg9[%get3A_197, %get3A_198] {strides = array<i32>} : memref<80x128xf32, #tpu.memory_space<vmem>>, vector<1x16xf32>,
        %get3A_200 = vector.shape_cast %get3A_199 : vector<1x16xf32> to vector<16xf32>
        %mul3A_201 = arith.constant 11.3137083 : f32
        %mul3A_202 = vector.broadcast %mul3A_201 : f32 to vector<16xf32>
        %mul3A_203 = arith.mulf %get3A_200, %mul3A_202 : vector<16xf32>
        %swap3A_204 = arith.index_cast %scan3A_162 : i32 to index
        %swap3A_205 = arith.constant 48 : index
        %swap3A_206 = tpu.vector_load %arg9[%swap3A_204, %swap3A_205] {strides = array<i32>} : memref<80x128xf32, #tpu.memory_space<vmem>>, vector<1x16xf32>,
        %swap3A_207 = vector.shape_cast %swap3A_206 : vector<1x16xf32> to vector<16xf32>
        %swap3A_208 = vector.shape_cast %mul3A_203 : vector<16xf32> to vector<1x16xf32>
        tpu.vector_store %arg9[%swap3A_204, %swap3A_205], %swap3A_208 {strides = array<i32>} : memref<80x128xf32, #tpu.memory_space<vmem>>, vector<1x16xf32>,
        %get3A_209 = arith.index_cast %scan3A_162 : i32 to index
        %get3A_210 = arith.constant 64 : index
        %get3A_211 = tpu.vector_load %arg9[%get3A_209, %get3A_210] {strides = array<i32>} : memref<80x128xf32, #tpu.memory_space<vmem>>, vector<1x16xf32>,
        %get3A_212 = vector.shape_cast %get3A_211 : vector<1x16xf32> to vector<16xf32>
        %mul3A_213 = arith.constant 11.3137083 : f32
        %mul3A_214 = vector.broadcast %mul3A_213 : f32 to vector<16xf32>
        %mul3A_215 = arith.mulf %get3A_212, %mul3A_214 : vector<16xf32>
        %swap3A_216 = arith.index_cast %scan3A_162 : i32 to index
        %swap3A_217 = arith.constant 64 : index
        %swap3A_218 = tpu.vector_load %arg9[%swap3A_216, %swap3A_217] {strides = array<i32>} : memref<80x128xf32, #tpu.memory_space<vmem>>, vector<1x16xf32>,
        %swap3A_219 = vector.shape_cast %swap3A_218 : vector<1x16xf32> to vector<16xf32>
        %swap3A_220 = vector.shape_cast %mul3A_215 : vector<16xf32> to vector<1x16xf32>
        tpu.vector_store %arg9[%swap3A_216, %swap3A_217], %swap3A_220 {strides = array<i32>} : memref<80x128xf32, #tpu.memory_space<vmem>>, vector<1x16xf32>,
        %get3A_221 = arith.index_cast %scan3A_162 : i32 to index
        %get3A_222 = arith.constant 80 : index
        %get3A_223 = tpu.vector_load %arg9[%get3A_221, %get3A_222] {strides = array<i32>} : memref<80x128xf32, #tpu.memory_space<vmem>>, vector<1x16xf32>,
        %get3A_224 = vector.shape_cast %get3A_223 : vector<1x16xf32> to vector<16xf32>
        %mul3A_225 = arith.constant 11.3137083 : f32
        %mul3A_226 = vector.broadcast %mul3A_225 : f32 to vector<16xf32>
        %mul3A_227 = arith.mulf %get3A_224, %mul3A_226 : vector<16xf32>
        %swap3A_228 = arith.index_cast %scan3A_162 : i32 to index
        %swap3A_229 = arith.constant 80 : index
        %swap3A_230 = tpu.vector_load %arg9[%swap3A_228, %swap3A_229] {strides = array<i32>} : memref<80x128xf32, #tpu.memory_space<vmem>>, vector<1x16xf32>,
        %swap3A_231 = vector.shape_cast %swap3A_230 : vector<1x16xf32> to vector<16xf32>
        %swap3A_232 = vector.shape_cast %mul3A_227 : vector<16xf32> to vector<1x16xf32>
        tpu.vector_store %arg9[%swap3A_228, %swap3A_229], %swap3A_232 {strides = array<i32>} : memref<80x128xf32, #tpu.memory_space<vmem>>, vector<1x16xf32>,
        %get3A_233 = arith.index_cast %scan3A_162 : i32 to index
        %get3A_234 = arith.constant 96 : index
        %get3A_235 = tpu.vector_load %arg9[%get3A_233, %get3A_234] {strides = array<i32>} : memref<80x128xf32, #tpu.memory_space<vmem>>, vector<1x16xf32>,
        %get3A_236 = vector.shape_cast %get3A_235 : vector<1x16xf32> to vector<16xf32>
        %mul3A_237 = arith.constant 11.3137083 : f32
        %mul3A_238 = vector.broadcast %mul3A_237 : f32 to vector<16xf32>
        %mul3A_239 = arith.mulf %get3A_236, %mul3A_238 : vector<16xf32>
        %swap3A_240 = arith.index_cast %scan3A_162 : i32 to index
        %swap3A_241 = arith.constant 96 : index
        %swap3A_242 = tpu.vector_load %arg9[%swap3A_240, %swap3A_241] {strides = array<i32>} : memref<80x128xf32, #tpu.memory_space<vmem>>, vector<1x16xf32>,
        %swap3A_243 = vector.shape_cast %swap3A_242 : vector<1x16xf32> to vector<16xf32>
        %swap3A_244 = vector.shape_cast %mul3A_239 : vector<16xf32> to vector<1x16xf32>
        tpu.vector_store %arg9[%swap3A_240, %swap3A_241], %swap3A_244 {strides = array<i32>} : memref<80x128xf32, #tpu.memory_space<vmem>>, vector<1x16xf32>,
        %get3A_245 = arith.index_cast %scan3A_162 : i32 to index
        %get3A_246 = arith.constant 112 : index
        %get3A_247 = tpu.vector_load %arg9[%get3A_245, %get3A_246] {strides = array<i32>} : memref<80x128xf32, #tpu.memory_space<vmem>>, vector<1x16xf32>,
        %get3A_248 = vector.shape_cast %get3A_247 : vector<1x16xf32> to vector<16xf32>
        %mul3A_249 = arith.constant 11.3137083 : f32
        %mul3A_250 = vector.broadcast %mul3A_249 : f32 to vector<16xf32>
        %mul3A_251 = arith.mulf %get3A_248, %mul3A_250 : vector<16xf32>
        %swap3A_252 = arith.index_cast %scan3A_162 : i32 to index
        %swap3A_253 = arith.constant 112 : index
        %swap3A_254 = tpu.vector_load %arg9[%swap3A_252, %swap3A_253] {strides = array<i32>} : memref<80x128xf32, #tpu.memory_space<vmem>>, vector<1x16xf32>,
        %swap3A_255 = vector.shape_cast %swap3A_254 : vector<1x16xf32> to vector<16xf32>
        %swap3A_256 = vector.shape_cast %mul3A_251 : vector<16xf32> to vector<1x16xf32>
        tpu.vector_store %arg9[%swap3A_252, %swap3A_253], %swap3A_256 {strides = array<i32>} : memref<80x128xf32, #tpu.memory_space<vmem>>, vector<1x16xf32>,
      }
      %scan3A_147 = arith.constant 80 : i32
      %mul3A_148 = arith.constant 80 : i32
      %mul3A_149 = arith.muli %add3A_135, %mul3A_148 : i32
      %add3A_150 = arith.addi %mul3A_2, %mul3A_149 : i32
      %dma_start3A_151 = arith.constant 0 : i32
      %dma_start3A_152 = tpu.memref_slice %arg4[%add3A_150, %dma_start3A_151] : memref<204800x128xf32, #tpu.memory_space<hbm>> -> memref<80x128xf32, #tpu.memory_space<hbm>>
      %dma_start3A_153 = arith.constant 0 : i32
      %dma_start3A_154 = tpu.memref_slice %arg4[%add3A_150, %dma_start3A_153] : memref<204800x128xf32, #tpu.memory_space<hbm>> -> memref<80x128xf32, #tpu.memory_space<hbm>>
      tpu.enqueue_dma source(%arg9 : memref<80x128xf32, #tpu.memory_space<vmem>>) target(%dma_start3A_154 : memref<80x128xf32, #tpu.memory_space<hbm>>) target_semaphore(%arg17 : memref<!tpu.dma_semaphore, #tpu.memory_space<semaphore_mem>>)
      %add3A_155 = arith.constant 2 : i32
      %add3A_156 = arith.addi %add3A_135, %add3A_155 : i32
      %lt3A_157 = arith.constant 80 : i32
      %lt3A_158 = arith.cmpi slt, %add3A_156, %lt3A_157 : i32
      %convert_element_type3A_159 = arith.extui %lt3A_158 : i1 to i32
      %cond3A_160 = arith.constant 0 : i32
      %cond3A_161 = arith.cmpi ne, %convert_element_type3A_159, %cond3A_160 : i32
      scf.if %cond3A_161 {
        %ge3A = arith.constant 2 : i32
        %ge3A_162 = arith.cmpi sge, %add3A_135, %ge3A : i32
        %convert_element_type3A_163 = arith.extui %ge3A_162 : i1 to i32
        %cond3A_164 = arith.constant 0 : i32
        %cond3A_165 = arith.cmpi ne, %convert_element_type3A_163, %cond3A_164 : i32
        scf.if %cond3A_165 {
          %sub3A = arith.constant 2 : i32
          %sub3A_174 = arith.subi %add3A_135, %sub3A : i32
          %mul3A_175 = arith.constant 80 : i32
          %mul3A_176 = arith.muli %sub3A_174, %mul3A_175 : i32
          %add3A_177 = arith.addi %mul3A_2, %mul3A_176 : i32
          %dma_wait3A_178 = arith.constant 0 : i32
          %dma_wait3A_179 = tpu.memref_slice %arg4[%add3A_177, %dma_wait3A_178] : memref<204800x128xf32, #tpu.memory_space<hbm>> -> memref<80x128xf32, #tpu.memory_space<hbm>>
          %dma_wait3A_180 = arith.constant 0 : i32
          %dma_wait3A_181 = tpu.memref_slice %arg4[%add3A_177, %dma_wait3A_180] : memref<204800x128xf32, #tpu.memory_space<hbm>> -> memref<80x128xf32, #tpu.memory_space<hbm>>
          tpu.wait_dma2 semaphore(%arg15 : memref<!tpu.dma_semaphore, #tpu.memory_space<semaphore_mem>>) src(%arg7 : memref<80x128xf32, #tpu.memory_space<vmem>>) dst(%dma_wait3A_181 : memref<80x128xf32, #tpu.memory_space<hbm>>)
        } else {
        }
        %add3A_166 = arith.constant 2 : i32
        %add3A_167 = arith.addi %add3A_135, %add3A_166 : i32
        %dma_start3A_168 = arith.constant 0 : i32
        %dma_start3A_169 = tpu.memref_slice %arg5[%add3A_167, %dma_start3A_168] : memref<80x80xi32, #tpu.memory_space<vmem>> -> memref<1x80xi32, #tpu.memory_space<vmem>>
        %dma_start3A_170 = tpu.memref_squeeze %dma_start3A_169 : memref<1x80xi32, #tpu.memory_space<vmem>> -> memref<80xi32, #tpu.memory_space<vmem>>
        %dma_start3A_171 = arith.constant 0 : i32
        %dma_start3A_172 = arith.constant 0 : i32
        %dma_start3A_173 = tpu.memref_slice %arg3[%dma_start3A_171, %dma_start3A_172] : memref<100000x128xf32, #tpu.memory_space<hbm>> -> memref<100000x128xf32, #tpu.memory_space<hbm>>
        tpu.enqueue_indirect_dma source(%dma_start3A_173 : memref<100000x128xf32, #tpu.memory_space<hbm>>) target(%arg7 : memref<80x128xf32, #tpu.memory_space<vmem>>) offsets(%dma_start3A_170 : memref<80xi32, #tpu.memory_space<vmem>>) semaphore(%arg11 : memref<!tpu.dma_semaphore, #tpu.memory_space<semaphore_mem>>)
      } else {
      }
    }
    %scan3A_20 = arith.constant 20 : i32
    %add3A_21 = arith.constant 6080 : i32
    %add3A_22 = arith.addi %mul3A_2, %add3A_21 : i32
    %dma_wait3A = arith.constant 0 : i32
    %dma_wait3A_23 = tpu.memref_slice %arg4[%add3A_22, %dma_wait3A] : memref<204800x128xf32, #tpu.memory_space<hbm>> -> memref<80x128xf32, #tpu.memory_space<hbm>>
    %dma_wait3A_24 = arith.constant 0 : i32
    %dma_wait3A_25 = tpu.memref_slice %arg4[%add3A_22, %dma_wait3A_24] : memref<204800x128xf32, #tpu.memory_space<hbm>> -> memref<80x128xf32, #tpu.memory_space<hbm>>
    tpu.wait_dma2 semaphore(%arg14 : memref<!tpu.dma_semaphore, #tpu.memory_space<semaphore_mem>>) src(%arg6 : memref<80x128xf32, #tpu.memory_space<vmem>>) dst(%dma_wait3A_25 : memref<80x128xf32, #tpu.memory_space<hbm>>)
    %add3A_26 = arith.constant 6160 : i32
    %add3A_27 = arith.addi %mul3A_2, %add3A_26 : i32
    %dma_wait3A_28 = arith.constant 0 : i32
    %dma_wait3A_29 = tpu.memref_slice %arg4[%add3A_27, %dma_wait3A_28] : memref<204800x128xf32, #tpu.memory_space<hbm>> -> memref<80x128xf32, #tpu.memory_space<hbm>>
    %dma_wait3A_30 = arith.constant 0 : i32
    %dma_wait3A_31 = tpu.memref_slice %arg4[%add3A_27, %dma_wait3A_30] : memref<204800x128xf32, #tpu.memory_space<hbm>> -> memref<80x128xf32, #tpu.memory_space<hbm>>
    tpu.wait_dma2 semaphore(%arg15 : memref<!tpu.dma_semaphore, #tpu.memory_space<semaphore_mem>>) src(%arg7 : memref<80x128xf32, #tpu.memory_space<vmem>>) dst(%dma_wait3A_31 : memref<80x128xf32, #tpu.memory_space<hbm>>)
    %add3A_32 = arith.constant 6240 : i32
    %add3A_33 = arith.addi %mul3A_2, %add3A_32 : i32
    %dma_wait3A_34 = arith.constant 0 : i32
    %dma_wait3A_35 = tpu.memref_slice %arg4[%add3A_33, %dma_wait3A_34] : memref<204800x128xf32, #tpu.memory_space<hbm>> -> memref<80x128xf32, #tpu.memory_space<hbm>>
    %dma_wait3A_36 = arith.constant 0 : i32
    %dma_wait3A_37 = tpu.memref_slice %arg4[%add3A_33, %dma_wait3A_36] : memref<204800x128xf32, #tpu.memory_space<hbm>> -> memref<80x128xf32, #tpu.memory_space<hbm>>
    tpu.wait_dma2 semaphore(%arg16 : memref<!tpu.dma_semaphore, #tpu.memory_space<semaphore_mem>>) src(%arg8 : memref<80x128xf32, #tpu.memory_space<vmem>>) dst(%dma_wait3A_37 : memref<80x128xf32, #tpu.memory_space<hbm>>)
    %add3A_38 = arith.constant 6320 : i32
    %add3A_39 = arith.addi %mul3A_2, %add3A_38 : i32
    %dma_wait3A_40 = arith.constant 0 : i32
    %dma_wait3A_41 = tpu.memref_slice %arg4[%add3A_39, %dma_wait3A_40] : memref<204800x128xf32, #tpu.memory_space<hbm>> -> memref<80x128xf32, #tpu.memory_space<hbm>>
    %dma_wait3A_42 = arith.constant 0 : i32
    %dma_wait3A_43 = tpu.memref_slice %arg4[%add3A_39, %dma_wait3A_42] : memref<204800x128xf32, #tpu.memory_space<hbm>> -> memref<80x128xf32, #tpu.memory_space<hbm>>
    tpu.wait_dma2 semaphore(%arg17 : memref<!tpu.dma_semaphore, #tpu.memory_space<semaphore_mem>>) src(%arg9 : memref<80x128xf32, #tpu.memory_space<vmem>>) dst(%dma_wait3A_43 : memref<80x128xf32, #tpu.memory_space<hbm>>)
    return
  }
}

</mosaic_0001>

<sc_bundles>
// kernel: kernel.3.cloned.1.call-start
scs
__scs_entry_jumppad:
0x0: {  	(pc) =	sbr.rel $0x88, $3  }
0x1: {  	(tag) =	ssettag $0x0;
	lr =	simm.s32 $0x1  }
0x2: {  	[smem:$0x3F9F] =	sst lr;
	_ =	strace $0xD0000000  }
0x3: {  	_ = 	snop  }
0x4: {  	_ = 	snop  }
0x5: {  	_ = 	snop  }
0x6: {  	_ = 	snop  }
0x7: {  	_ = 	snop  }
__scs_overlays_trampoline_lowered:
0x8: {  	[smem:$0x3FAE] =	sst s0  }
0x9: {  	[smem:$0x3FAF] =	sst s1  }
0xa: {  	[smem:$0x3FB0] =	sst s2  }
0xb: {  	[smem:$0x3FB1] =	sst s3  }
0xc: {  	[smem:$0x3FB2] =	sst s4  }
0xd: {  	[smem:$0x3FB3] =	sst s5  }
0xe: {  	[smem:$0x3FB4] =	sst s6  }
0xf: {  	[smem:$0x3FB5] =	sst s7  }
0x10: {  	[smem:$0x3FB6] =	sst s8  }
0x11: {  	[smem:$0x3FB7] =	sst s9;
	s0 =	simm.s32 @!p0 $0x0  }
0x12: {  	s1 =	sld [smem:$0x3F9D];
	s0 =	simm.s32 @p0 $0x1  }
0x13: {  	[smem:$0x3FB8] =	sst s0;
	s0 =	simm.s32 @!p1 $0x0  }
0x14: {  	s2 =	sld [smem:$0x3F9C];
	s0 =	simm.s32 @p1 $0x1  }
0x15: {  	[smem:$0x3FB9] =	sst s0;
	s0 =	simm.s32 @!p2 $0x0  }
0x16: {  	s3 =	sld [smem:$0x3FDB];
	s0 =	simm.s32 @p2 $0x1  }
0x17: {  	s4 =	simm.s32 $0x1BF5;
	[smem:$0x3FBB] =	sst s0  }
0x18: {  	s0 =	sld [smem:$0x3F9E];
	_ =	swait.ge [sflag:s4], $0x0  }
0x19: {  	s7 =	sld [smem:$0x3F9F]  }
0x1a: {  	s8 =	sadd.s32 $0xFFFFE003, lr  }
0x1b: {  	s9 =	sadd.s32 $0xFFFFFEF7, lr;
	s5 =	simm.s32 $0xFFFFFFFF;
	p2 =	slt.u32 s8, $0xFFFFF086  }
0x1c: {  	p1 =	slt.u32 s9, $0xF7A;
	s5 =	simm.s32 @!p2 $0x0  }
0x1d: {  	s5 =	simm.s32 @p1 $0x1;
	p0 =	seq.s32 s7, s2  }
0x1e: {  	s7 =	smul.u32 @!p0 $0xF7A, s2;
	p2 =	seq.s32 @!p0 s5, $0x0  }
0x1f: {  	s9 =	smul.u32 $0xF7A, s1;
	s8 =	simm.s32 @!p0 $0x1BF5;
	p2 =	por !p2, p0  }
0x20: {  	[sflag:s8] =	ssyncset.s32 @!p0 $0xFFFFF086;
	s6 =	sadd.s32 @!p0 s3, s7;
	s7 =	simm.s32 @!p0 $0x108  }
0x21: {  	s3 =	sadd.s32 s3, s9;
	s6 =	sadd.s32 @!p0 $0x88, s6;
	s7 =	simm.s32 @p2 $0x1082  }
0x22: {  	[simem:s7], [sflag:s8] =	dma.local @!p0 [hbm:s6], $0xF7A  }
0x23: {  	s9 =	sor.u32 $0xD0000000, s2;
	s6 =	simm.s32 $0x108;
	_ =	swait.ge @!p0 [sflag:s8], $0x0  }
0x24: {  	s3 =	sadd.s32 $0x88, s3;
	s6 =	simm.s32 @!p1 $0x1082;
	[sflag:s4] =	ssyncset.s32 $0xFFFFF086  }
0x25: {  	[simem:s6], [sflag:s4] =	dma.local [hbm:s3], $0xF7A  }
0x26: {  	[smem:$0x3F9F] =	sst s1;
	(tag) =	ssettag s2;
	_ =	strace s9  }
0x27: {  	s1 =	sld [smem:$0x3FAF]  }
0x28: {  	s2 =	sld [smem:$0x3FB0]  }
0x29: {  	s4 =	sld [smem:$0x3FB2]  }
0x2a: {  	p0 =	seq.s32 s5, $0x0;
	s5 =	sld [smem:$0x3FB3]  }
0x2b: {  	s6 =	sld [smem:$0x3FB4]  }
0x2c: {  	s7 =	sld [smem:$0x3FB5]  }
0x2d: {  	s3 =	simm.s32 $0x108;
	s8 =	sld [smem:$0x3FB6]  }
0x2e: {  	s3 =	simm.s32 @!p0 $0x1082;
	s9 =	sld [smem:$0x3FB7]  }
0x2f: {  	lr =	sadd.s32 s0, s3;
	s0 =	sld [smem:$0x3FAE]  }
0x30: {  	s3 =	sld [smem:$0x3FB1]  }
0x31: {  	[smem:$0x3FBA] =	sst s10  }
0x32: {  	s10 =	sld [smem:$0x3FB8];
	_ =	sdelay $0x3  }
0x33: {  	p0 =	seq.s32 s10, $0x1;
	s10 =	sld [smem:$0x3FBA];
	_ =	sdelay $0x3  }
0x34: {  	[smem:$0x3FBA] =	sst s10  }
0x35: {  	s10 =	sld [smem:$0x3FB9];
	_ =	sdelay $0x3  }
0x36: {  	p1 =	seq.s32 s10, $0x1;
	s10 =	sld [smem:$0x3FBA];
	_ =	sdelay $0x3  }
0x37: {  	[smem:$0x3FBA] =	sst s10  }
0x38: {  	s10 =	sld [smem:$0x3FBB]  }
0x39: {  	_ = 	snop;
	(pc) =	sbr.ind lr, $3  }
0x3a: {  	_ = 	snop  }
0x3b: {  	_ = 	snop  }
0x3c: {  	p2 =	seq.s32 s10, $0x1;
	s10 =	sld [smem:$0x3FBA]  }
0x3d: {  	_ =	shalt  }
0x3e: {  	_ =	shalt  }
0x3f: {  	_ =	shalt  }
0x40: {  	_ =	shalt  }
0x41: {  	_ =	shalt  }
0x42: {  	_ =	shalt  }
0x43: {  	_ =	shalt  }
0x44: {  	_ =	shalt  }
0x45: {  	_ =	shalt  }
0x46: {  	_ =	shalt  }
0x47: {  	_ =	shalt  }
0x48: {  	_ =	shalt  }
0x49: {  	_ =	shalt  }
0x4a: {  	_ =	shalt  }
0x4b: {  	_ =	shalt  }
0x4c: {  	_ =	shalt  }
0x4d: {  	_ =	shalt  }
0x4e: {  	_ =	shalt  }
0x4f: {  	_ =	shalt  }
0x50: {  	_ =	shalt  }
0x51: {  	_ =	shalt  }
0x52: {  	_ =	shalt  }
0x53: {  	_ =	shalt  }
0x54: {  	_ =	shalt  }
0x55: {  	_ =	shalt  }
0x56: {  	_ =	shalt  }
0x57: {  	_ =	shalt  }
0x58: {  	_ =	shalt  }
0x59: {  	_ =	shalt  }
0x5a: {  	_ =	shalt  }
0x5b: {  	_ =	shalt  }
0x5c: {  	_ =	shalt  }
0x5d: {  	_ =	shalt  }
0x5e: {  	_ =	shalt  }
0x5f: {  	_ =	shalt  }
0x60: {  	_ =	shalt  }
0x61: {  	_ =	shalt  }
0x62: {  	_ =	shalt  }
0x63: {  	_ =	shalt  }
0x64: {  	_ =	shalt  }
0x65: {  	_ =	shalt  }
0x66: {  	_ =	shalt  }
0x67: {  	_ =	shalt  }
0x68: {  	_ =	shalt  }
0x69: {  	_ =	shalt  }
0x6a: {  	_ =	shalt  }
0x6b: {  	_ =	shalt  }
0x6c: {  	_ =	shalt  }
0x6d: {  	_ =	shalt  }
0x6e: {  	_ =	shalt  }
0x6f: {  	_ =	shalt  }
0x70: {  	_ =	shalt  }
0x71: {  	_ =	shalt  }
0x72: {  	_ =	shalt  }
0x73: {  	_ =	shalt  }
0x74: {  	_ =	shalt  }
0x75: {  	_ =	shalt  }
0x76: {  	_ =	shalt  }
0x77: {  	_ =	shalt  }
0x78: {  	_ =	shalt  }
0x79: {  	_ =	shalt  }
0x7a: {  	_ =	shalt  }
0x7b: {  	_ =	shalt  }
0x7c: {  	_ =	shalt  }
0x7d: {  	_ =	shalt  }
0x7e: {  	_ =	shalt  }
0x7f: {  	_ =	shalt  }
0x80: {  	_ =	shalt  }
0x81: {  	_ =	shalt  }
0x82: {  	_ =	shalt  }
0x83: {  	_ =	shalt  }
0x84: {  	_ =	shalt  }
0x85: {  	_ =	shalt  }
0x86: {  	_ =	shalt  }
0x87: {  	_ =	shalt  }
.Lfunc_end0:
.L_simem_size_0:
called_computation_lowered:
.L_overlay_start_0:
0x88: {  	s2 =	sld [smem:$0x3FD9]  }
0x89: {  	s3 =	sld [smem:$0x3FFE];
	_ =	sdelay $0x1  }
0x8a: {  	s1 =	srdreg.scid  }
0x8b: {  	s0 =	sand.u32 $0x1, s1  }
0x8c: {  	s17 =	sshll.u32 s0, $0xA;
	s2 =	sadd.s32 s3, s2  }
0x8d: {  	s2 =	sadd.s32 s2, s17  }
0x8e: {  	[smem:$0x3FC6] =	sst s2  }
0x8f: {  	_ = 	snop  }
0x90: {  	s2 =	sld [smem:$0x3FC8]  }
0x91: {  	s18 =	sld [smem:$0x3FD0];
	(tm) =	ssettm $0x1  }
0x92: {  	s4 =	sld [smem:$0x3FFB];
	_ =	sdelay $0x3  }
0x93: {  	_ =	strace s4  }
0x94: {  	s4 =	sld [smem:$0x3FFC];
	_ =	sdelay $0x3  }
0x95: {  	_ =	strace s4  }
0x96: {  	s4 =	sld [smem:$0x3FFD];
	_ =	sdelay $0x3  }
0x97: {  	_ =	strace s4  }
0x98: {  	_ =	strace $0x8FFFFFFF  }
0x99: {  	s19 =	sld [smem:$0x3FDB];
	_ =	sdelay $0x1  }
0x9a: {  	s5 =	simm.s32 $_scs_section_size  }
0x9b: {  	s6 =	simm.s32 $_size__tile_overlayer_lowered;
	s7 =	simm.s32 $_tile_overlayer_lowered  }
0x9c: {  	s22 =	simm.s32 $0x1BFF;
	s21 =	sshll.u32 s7, $0x1;
	s4 =	sadd.s32 s5, s19  }
0x9d: {  	s8 =	simm.s32 $0x0;
	s20 =	sshll.u32 s6, $0x1;
	s6 =	sadd.s32 s21, s4  }
0x9e: {  	[timem:s8], [sflag:s22] =	dma.local [hbm:s6], s20  }
0x9f: {  	_ =	swait.ge [sflag:s22], s20  }
0xa0: {  	s5 =	ssub.s32 $0x0, s20;
	[sflag:s22] =	ssyncset.done $0x0  }
0xa1: {  	[sflag:s22] =	ssyncadd.s32 s5;
	_ =	sdelay $0x1  }
0xa2: {  	s23 =	simm.s32 $0x1B8B  }
0xa3: {  	_ =	swait.ge [sflag:s23], $0x1  }
0xa4: {  	[sflag:s23] =	ssyncset.done $0x0  }
0xa5: {  	s25 =	simm.s32 $0x1B8E;
	s24 =	sld [smem:$0x3FFE];
	[sflag:s23] =	ssyncadd.s32 $0xFFFFFFFF  }
0xa6: {  	s26 =	simm.s32 $execute0_lowered;
	[smem:$0x3FD2] =	sst s25  }
0xa7: {  	s6 =	sshll.u32 s26, $0x1;
	_ =	strace $0x80000046;
	[dreg:$0x1] =	wrdreg $0xFFFFFFFF  }
0xa8: {  	s28 =	simm.s32 $_size_execute0_lowered;
	s4 =	sadd.s32 s4, s6;
	[dreg:$0x0] =	wrdreg $0x0  }
0xa9: {  	s6 =	sshll.u32 s28, $0x1;
	[dreg:$0x2] =	wrdreg s4  }
0xaa: {  	[dreg:$0x3] =	wrdreg s6  }
0xab: {  	[dreg:$0x4] =	wrdreg $0xC0  }
0xac: {  	_ =	task [dreg:s8], $0x5FFFF  }
0xad: {  	[dreg:$0x1] =	wrdreg $0xFFFFFFFF  }
0xae: {  	[dreg:$0x0] =	wrdreg $0x60  }
0xaf: {  	[dreg:$0x2] =	wrdreg s24  }
0xb0: {  	[dreg:$0x3] =	wrdreg s2  }
0xb1: {  	[dreg:$0x4] =	wrdreg s18  }
0xb2: {  	[dreg:$0x5] =	wrdreg $0x9  }
0xb3: {  	_ =	task.clear_ibuf [dreg:s8], $0x6FFFF;
	_ =	strace $0x90000046  }
0xb4: {  	s29 =	simm.s32 $0x9;
	_ =	strace $0x80000048  }
0xb5: {  	_ =	swait.ge [sflag:s29], $0x1  }
0xb6: {  	[sflag:s29] =	ssyncadd.s32 $0xFFFFFFFF  }
0xb7: {  	_ =	strace $0x90000048  }
0xb8: {  	_ =	sfence  }
0xb9: {  	s30 =	sld [smem:$0x0];
	_ =	sdelay $0x2  }
0xba: {  	s31 =	sshll.u32 s1, $0xD;
	s1 =	sshrl.u32 s1, $0x2  }
0xbb: {  	s3 =	sand.u32 $0x4000, s31;
	s1 =	sadd.s32 s1, s30  }
0xbc: {  	s0 =	sor.u32 s3, s0;
	s1 =	sshll.u32 s1, $0x11  }
0xbd: {  	s0 =	sor.u32 s1, s0  }
0xbe: {  	s0 =	sadd.s32 $0x8F2B, s0  }
0xbf: {  	[sflag:s0] =	ssyncadd.remote.s32 $0x1  }
0xc0: {  	_ =	sfence.sel $0xFFFF  }
0xc1: {  	[dreg:$0x0] =	wrdreg $0xFFFFFFFF;
	(pc) =	sbr.abs _section_cstart, $3  }
0xc2: {  	[dreg:$0x1] =	wrdreg $0xFFFFFFFF  }
0xc3: {  	_ =	task.clear_ibuf [dreg:s8], $0x2FFFF;
	_ =	strace $0x9FFFFFFF  }
0xc4: {  	(tm) =	ssettm $0x7FFFFFFF  }
0xc5: {  	_ =	shalt  }
tec
execute0_lowered:
.L_overlay_start_1:
0x0: {  	(tag) =	ssettag $0x1  }
0x1: {  	s5 =	rddreg [dreg:$0x0];
	s1 =	srdreg.scid  }
0x2: {  	s0 =	stileid.u32;
	s2 =	rddreg [dreg:$0x1]  }
0x3: {  	s3 =	rddreg [dreg:$0x2];
	s4 =	simm.s32 $0x0;
	s10 =	simm.s32 $0x50  }
0x4: {  	s11 =	simm.s32 $0x2800;
	s12 =	simm.s32 $0x80;
	s13 =	simm.s32 $0x5000  }
0x5: {  	s14 =	simm.s32 $0x1;
	s15 =	simm.s32 $0x7800;
	s16 =	simm.s32 $0x2  }
0x6: {  	s17 =	simm.s32 $0xA000;
	s6 =	sand.u32 $0x1, s1;
	s31 =	sshll.u32 s0, $0x1  }
0x7: {  	s18 =	simm.s32 $0x3;
	s19 =	simm.s32 $0x4;
	s7 =	sor.u32 s6, s31  }
0x8: {  	s20 =	simm.s32 $0x5;
	s21 =	simm.s32 $0x6;
	s8 =	smul.u32 $0x500, s7  }
.Ltmp0:
0x9: {  	s22 =	simm.s32 $0x7;
	s23 =	simm.s32 $0x8;
	(pc) =	sbr.rel .LBB2_1-.Ltmp0, $4  }
0xa: {  	s24 =	simm.s32 $0x0;
	[smem:$0x7FF] =	sst s4;
	s6 =	ssub.s32 $0x2, s6  }
0xb: {  	s9 =	sshrl.u32 s6, $0x1;
	s8 =	sadd.s32 s8, s5;
	s5 =	smul.u32 $0x1900, s7  }
0xc: {  	_ =	strace $0x80000047;
	s9 =	ssub.s32 s6, s9;
	s6 =	sadd.s32 $0x400, s8  }
0xd: {  	s8 =	smax.u32 s9, $0x1;
	s9 =	simm.s32 $0x9;
	s7 =	sor.u32 $0x50, s5  }
.LBB2_12:
0xe: {  	_ =	swait.ge [sflag:s20], $0x2800  }
0xf: {  	[sflag:s20] =	ssyncset.done $0x0  }
0x10: {  	[sflag:s20] =	ssyncadd.s32 $0xFFFFD800  }
0x11: {  	_ =	swait.ge [sflag:s21], $0x2800  }
0x12: {  	[sflag:s21] =	ssyncset.done $0x0  }
0x13: {  	s24 =	sadd.s32 $0x1, s24;
	[sflag:s21] =	ssyncadd.s32 $0xFFFFD800  }
0x14: {  	p0 =	sne.s32 s24, s8;
	_ =	swait.ge [sflag:s22], $0x2800  }
.Ltmp1:
0x15: {  	[sflag:s22] =	ssyncset.done $0x0;
	(pc) =	sbr.rel @!p0 .LBB2_13-.Ltmp1, $4  }
0x16: {  	[sflag:s22] =	ssyncadd.s32 $0xFFFFD800  }
0x17: {  	_ =	swait.ge [sflag:s23], $0x2800  }
0x18: {  	[sflag:s23] =	ssyncset.done $0x0  }
0x19: {  	[sflag:s23] =	ssyncadd.s32 $0xFFFFD800  }
.LBB2_1:
0x1a: {  	[tilespmem:s4], [sflag:$0x9] =	stream.linear.gather [hbm4b:s6+s4], $0x2800, $0x38;
	[tilespmem:$0xC800] =	vst v63  }
0x1b: {  	_ =	swait.ge [sflag:s9], $0x2800  }
0x1c: {  	[sflag:s9] =	ssyncset.done $0x0  }
0x1d: {  	[sflag:s9] =	ssyncadd.s32 $0xFFFFD800  }
0x1e: {  	[tilespmem:s11], [sflag:$0x1] =	stream.indirect.gather [hbm4b:s2+s10], $0x80, s4, s10, $0xb8;
	[tilespmem:$0xC800] =	vst v63  }
0x1f: {  	s25 =	simm.s32 $0x0  }
0x20: {  	[tilespmem:s13], [sflag:$0x2] =	stream.indirect.gather [hbm4b:s2+s10], $0x80, s12, s10, $0xb8;
	[tilespmem:$0xC800] =	vst v63  }
.LBB2_2:
0x21: {  	_ =	swait.ge [sflag:s14], $0x2800  }
0x22: {  	[sflag:s14] =	ssyncset.done $0x0  }
0x23: {  	s28 =	simm.s32 $0x0;
	[sflag:s14] =	ssyncadd.s32 $0xFFFFD800  }
0x24: {  	v2 =	vld [tilespmem:s28+$0x2800]  }
0x25: {  	v5 =	vld [tilespmem:s28+$0x2810]  }
0x26: {  	v4 =	vld [tilespmem:s28+$0x2820]  }
0x27: {  	v3 =	vld [tilespmem:s28+$0x2830]  }
0x28: {  	v0 =	vld [tilespmem:s28+$0x2840]  }
0x29: {  	v1 =	vld [tilespmem:s28+$0x2850];
	v6 =	vmul.f32 $1.131370830e+01, v2  }
0x2a: {  	s26 =	simm.s32 $0x200;
	v5 =	vmul.f32 $1.131370830e+01, v5;
	v2 =	vld [tilespmem:s28+$0x2860]  }
.LBB2_3:
0x2b: {  	s29 =	sshra.s32 s26, $0x2;
	p0 =	sne.s32 s26, $0x9E00;
	[tilespmem:s28+$0x2800] =	vst v6;
	v4 =	vmul.f32 $1.131370830e+01, v4;
	v6 =	vld [tilespmem:s28+$0x2870]  }
0x2c: {  	v7 =	vld [tilespmem:s29+$0x2800];
	[tilespmem:s28+$0x2810] =	vst v5;
	v3 =	vmul.f32 $1.131370830e+01, v3  }
0x2d: {  	v5 =	vld [tilespmem:s29+$0x2810];
	[tilespmem:s28+$0x2820] =	vst v4;
	v0 =	vmul.f32 $1.131370830e+01, v0  }
.Ltmp2:
0x2e: {  	v4 =	vld [tilespmem:s29+$0x2820];
	[tilespmem:s28+$0x2830] =	vst v3;
	v1 =	vmul.f32 $1.131370830e+01, v1;
	(pc) =	sbr.rel @p0 .LBB2_3-.Ltmp2, $4  }
0x2f: {  	v3 =	vld [tilespmem:s29+$0x2830];
	[tilespmem:s28+$0x2840] =	vst v0;
	v2 =	vmul.f32 $1.131370830e+01, v2  }
0x30: {  	v0 =	vld [tilespmem:s29+$0x2840];
	[tilespmem:s28+$0x2850] =	vst v1;
	v8 =	vmul.f32 $1.131370830e+01, v6  }
0x31: {  	v6 =	vmul.f32 $1.131370830e+01, v7;
	v1 =	vld [tilespmem:s29+$0x2850];
	[tilespmem:s28+$0x2860] =	vst v2  }
0x32: {  	s26 =	sadd.s32 $0x200, s26;
	v5 =	vmul.f32 $1.131370830e+01, v5;
	v2 =	vld [tilespmem:s29+$0x2860];
	[tilespmem:s28+$0x2870] =	vst v8;
	s28 =	smov.u32 s29  }
0x33: {  	[tilespmem:s28+$0x2800] =	vst v6;
	v4 =	vmul.f32 $1.131370830e+01, v4;
	v6 =	vld [tilespmem:s28+$0x2870]  }
0x34: {  	[tilespmem:s28+$0x2810] =	vst v5;
	v3 =	vmul.f32 $1.131370830e+01, v3  }
0x35: {  	[tilespmem:s28+$0x2820] =	vst v4;
	v0 =	vmul.f32 $1.131370830e+01, v0  }
0x36: {  	s26 =	smul.u32 $0x140, s25;
	[tilespmem:s28+$0x2830] =	vst v3;
	v1 =	vmul.f32 $1.131370830e+01, v1  }
0x37: {  	[tilespmem:s28+$0x2840] =	vst v0;
	v0 =	vmul.f32 $1.131370830e+01, v2  }
0x38: {  	s29 =	sadd.s32 s5, s26;
	[tilespmem:s28+$0x2850] =	vst v1;
	v1 =	vmul.f32 $1.131370830e+01, v6  }
0x39: {  	p0 =	seq.s32 s25, $0x0;
	s29 =	sshll.u32 s29, $0x4;
	[tilespmem:s28+$0x2860] =	vst v0  }
0x3a: {  	s30 =	simm.s32 @!p0 $0x7;
	[tilespmem:s28+$0x2870] =	vst v1;
	s28 =	sadd.s32 s3, s29;
	s29 =	sshll.u32 s25, $0x2  }
0x3b: {  	[hbm4b:s28+s4] =	stream.linear.scatter [tilespmem:s11], [sflag:$0x5], $0x2800, $0x38;
	[tilespmem:$0xC800] =	vst v63  }
0x3c: {  	s28 =	sor.u32 $0x2, s29;
	_ =	swait.ge @!p0 [sflag:s30], $0x2800  }
0x3d: {  	s31 =	sshll.u32 s28, $0x7;
	[sflag:s30] =	ssyncset.done @!p0 $0x0  }
0x3e: {  	[sflag:s30] =	ssyncadd.s32 @!p0 $0xFFFFD800;
	s30 =	sand.u32 $0x3FFFFF80, s31  }
0x3f: {  	[tilespmem:s15], [sflag:$0x3] =	stream.indirect.gather [hbm4b:s2+s10], $0x80, s30, s10, $0xb8;
	[tilespmem:$0xC800] =	vst v63  }
0x40: {  	_ =	swait.ge [sflag:s16], $0x2800  }
0x41: {  	[sflag:s16] =	ssyncset.done $0x0  }
0x42: {  	s30 =	simm.s32 $0x0;
	[sflag:s16] =	ssyncadd.s32 $0xFFFFD800  }
0x43: {  	v3 =	vld [tilespmem:s30+$0x5000]  }
0x44: {  	v5 =	vld [tilespmem:s30+$0x5010]  }
0x45: {  	v4 =	vld [tilespmem:s30+$0x5020]  }
0x46: {  	v2 =	vld [tilespmem:s30+$0x5030]  }
0x47: {  	v0 =	vld [tilespmem:s30+$0x5040]  }
0x48: {  	v1 =	vld [tilespmem:s30+$0x5050];
	v6 =	vmul.f32 $1.131370830e+01, v3  }
0x49: {  	s31 =	simm.s32 $0x200;
	v5 =	vmul.f32 $1.131370830e+01, v5;
	v3 =	vld [tilespmem:s30+$0x5060]  }
.LBB2_5:
0x4a: {  	s1 =	sshra.s32 s31, $0x2;
	p1 =	sne.s32 s31, $0x9E00;
	[tilespmem:s30+$0x5000] =	vst v6;
	v4 =	vmul.f32 $1.131370830e+01, v4;
	v6 =	vld [tilespmem:s30+$0x5070]  }
0x4b: {  	v7 =	vld [tilespmem:s1+$0x5000];
	[tilespmem:s30+$0x5010] =	vst v5;
	v2 =	vmul.f32 $1.131370830e+01, v2  }
0x4c: {  	v5 =	vld [tilespmem:s1+$0x5010];
	[tilespmem:s30+$0x5020] =	vst v4;
	v0 =	vmul.f32 $1.131370830e+01, v0  }
.Ltmp3:
0x4d: {  	v4 =	vld [tilespmem:s1+$0x5020];
	[tilespmem:s30+$0x5030] =	vst v2;
	v1 =	vmul.f32 $1.131370830e+01, v1;
	(pc) =	sbr.rel @p1 .LBB2_5-.Ltmp3, $4  }
0x4e: {  	v2 =	vld [tilespmem:s1+$0x5030];
	[tilespmem:s30+$0x5040] =	vst v0;
	v3 =	vmul.f32 $1.131370830e+01, v3  }
0x4f: {  	v0 =	vld [tilespmem:s1+$0x5040];
	[tilespmem:s30+$0x5050] =	vst v1;
	v8 =	vmul.f32 $1.131370830e+01, v6  }
0x50: {  	v6 =	vmul.f32 $1.131370830e+01, v7;
	v1 =	vld [tilespmem:s1+$0x5050];
	[tilespmem:s30+$0x5060] =	vst v3  }
0x51: {  	s31 =	sadd.s32 $0x200, s31;
	v5 =	vmul.f32 $1.131370830e+01, v5;
	v3 =	vld [tilespmem:s1+$0x5060];
	[tilespmem:s30+$0x5070] =	vst v8;
	s30 =	smov.u32 s1  }
0x52: {  	[tilespmem:s30+$0x5000] =	vst v6;
	v4 =	vmul.f32 $1.131370830e+01, v4;
	v6 =	vld [tilespmem:s30+$0x5070]  }
0x53: {  	[tilespmem:s30+$0x5010] =	vst v5;
	v2 =	vmul.f32 $1.131370830e+01, v2  }
0x54: {  	[tilespmem:s30+$0x5020] =	vst v4;
	v0 =	vmul.f32 $1.131370830e+01, v0  }
0x55: {  	[tilespmem:s30+$0x5030] =	vst v2;
	v1 =	vmul.f32 $1.131370830e+01, v1  }
0x56: {  	[tilespmem:s30+$0x5040] =	vst v0;
	v0 =	vmul.f32 $1.131370830e+01, v3  }
0x57: {  	s1 =	sadd.s32 s26, s7;
	[tilespmem:s30+$0x5050] =	vst v1;
	v1 =	vmul.f32 $1.131370830e+01, v6  }
0x58: {  	s1 =	sshll.u32 s1, $0x4;
	[tilespmem:s30+$0x5060] =	vst v0  }
0x59: {  	s1 =	sadd.s32 s3, s1;
	[tilespmem:s30+$0x5070] =	vst v1  }
0x5a: {  	[hbm4b:s1+s4] =	stream.linear.scatter [tilespmem:s13], [sflag:$0x6], $0x2800, $0x38;
	[tilespmem:$0xC800] =	vst v63  }
0x5b: {  	s1 =	simm.s32 @!p0 $0x8  }
0x5c: {  	s26 =	sor.u32 $0x3, s29;
	_ =	swait.ge @!p0 [sflag:s1], $0x2800  }
0x5d: {  	s29 =	sshll.u32 s26, $0x7;
	[sflag:s1] =	ssyncset.done @!p0 $0x0  }
0x5e: {  	s31 =	sand.u32 $0x3FFFFF80, s29;
	[sflag:s1] =	ssyncadd.s32 @!p0 $0xFFFFD800  }
0x5f: {  	[tilespmem:s17], [sflag:$0x4] =	stream.indirect.gather [hbm4b:s2+s10], $0x80, s31, s10, $0xb8;
	[tilespmem:$0xC800] =	vst v63  }
0x60: {  	_ =	swait.ge [sflag:s18], $0x2800  }
0x61: {  	[sflag:s18] =	ssyncset.done $0x0  }
0x62: {  	s29 =	simm.s32 $0x0;
	[sflag:s18] =	ssyncadd.s32 $0xFFFFD800  }
0x63: {  	v2 =	vld [tilespmem:s29+$0x7800]  }
0x64: {  	v5 =	vld [tilespmem:s29+$0x7810]  }
0x65: {  	v4 =	vld [tilespmem:s29+$0x7820]  }
0x66: {  	v3 =	vld [tilespmem:s29+$0x7830]  }
0x67: {  	v0 =	vld [tilespmem:s29+$0x7840]  }
0x68: {  	v1 =	vld [tilespmem:s29+$0x7850];
	v6 =	vmul.f32 $1.131370830e+01, v2  }
0x69: {  	s30 =	simm.s32 $0x200;
	v5 =	vmul.f32 $1.131370830e+01, v5;
	v2 =	vld [tilespmem:s29+$0x7860]  }
.LBB2_7:
0x6a: {  	s1 =	sshra.s32 s30, $0x2;
	p0 =	sne.s32 s30, $0x9E00;
	[tilespmem:s29+$0x7800] =	vst v6;
	v4 =	vmul.f32 $1.131370830e+01, v4;
	v6 =	vld [tilespmem:s29+$0x7870]  }
0x6b: {  	v7 =	vld [tilespmem:s1+$0x7800];
	[tilespmem:s29+$0x7810] =	vst v5;
	v3 =	vmul.f32 $1.131370830e+01, v3  }
0x6c: {  	v5 =	vld [tilespmem:s1+$0x7810];
	[tilespmem:s29+$0x7820] =	vst v4;
	v0 =	vmul.f32 $1.131370830e+01, v0  }
.Ltmp4:
0x6d: {  	v4 =	vld [tilespmem:s1+$0x7820];
	[tilespmem:s29+$0x7830] =	vst v3;
	v1 =	vmul.f32 $1.131370830e+01, v1;
	(pc) =	sbr.rel @p0 .LBB2_7-.Ltmp4, $4  }
0x6e: {  	v3 =	vld [tilespmem:s1+$0x7830];
	[tilespmem:s29+$0x7840] =	vst v0;
	v2 =	vmul.f32 $1.131370830e+01, v2  }
0x6f: {  	v0 =	vld [tilespmem:s1+$0x7840];
	[tilespmem:s29+$0x7850] =	vst v1;
	v8 =	vmul.f32 $1.131370830e+01, v6  }
0x70: {  	v6 =	vmul.f32 $1.131370830e+01, v7;
	v1 =	vld [tilespmem:s1+$0x7850];
	[tilespmem:s29+$0x7860] =	vst v2  }
0x71: {  	s30 =	sadd.s32 $0x200, s30;
	v5 =	vmul.f32 $1.131370830e+01, v5;
	v2 =	vld [tilespmem:s1+$0x7860];
	[tilespmem:s29+$0x7870] =	vst v8;
	s29 =	smov.u32 s1  }
0x72: {  	[tilespmem:s29+$0x7800] =	vst v6;
	v4 =	vmul.f32 $1.131370830e+01, v4;
	v6 =	vld [tilespmem:s29+$0x7870]  }
0x73: {  	[tilespmem:s29+$0x7810] =	vst v5;
	v3 =	vmul.f32 $1.131370830e+01, v3  }
0x74: {  	[tilespmem:s29+$0x7820] =	vst v4;
	v0 =	vmul.f32 $1.131370830e+01, v0  }
0x75: {  	s1 =	smul.u32 $0x50, s28;
	[tilespmem:s29+$0x7830] =	vst v3;
	v1 =	vmul.f32 $1.131370830e+01, v1  }
0x76: {  	[tilespmem:s29+$0x7840] =	vst v0;
	v0 =	vmul.f32 $1.131370830e+01, v2  }
0x77: {  	s1 =	sadd.s32 s5, s1;
	[tilespmem:s29+$0x7850] =	vst v1;
	v1 =	vmul.f32 $1.131370830e+01, v6  }
0x78: {  	s1 =	sshll.u32 s1, $0x4;
	[tilespmem:s29+$0x7860] =	vst v0  }
0x79: {  	p0 =	seq.s32 s25, $0x13;
	s1 =	sadd.s32 s3, s1;
	[tilespmem:s29+$0x7870] =	vst v1  }
0x7a: {  	[hbm4b:s1+s4] =	stream.linear.scatter [tilespmem:s15], [sflag:$0x7], $0x2800, $0x38;
	[tilespmem:$0xC800] =	vst v63  }
0x7b: {  	s1 =	simm.s32 @!p0 $0x5  }
0x7c: {  	_ =	swait.ge @!p0 [sflag:s1], $0x2800  }
0x7d: {  	s28 =	sshll.u32 @!p0 s25, $0x9;
	[sflag:s1] =	ssyncset.done @!p0 $0x0  }
0x7e: {  	[sflag:s1] =	ssyncadd.s32 @!p0 $0xFFFFD800;
	s1 =	sand.u32 @!p0 $0x3FFFFE00, s28  }
0x7f: {  	s29 =	simm.s32 @!p0 $0x2800;
	s28 =	simm.s32 @!p0 $0x50;
	s1 =	sadd.s32 @!p0 $0x200, s1  }
0x80: {  	[tilespmem:s29], [sflag:$0x1] =	stream.indirect.gather @!p0 [hbm4b:s2+s28], $0x80, s1, s28, $0xb8;
	[tilespmem:$0xC800] =	vst v63  }
0x81: {  	_ =	swait.ge [sflag:s19], $0x2800  }
0x82: {  	[sflag:s19] =	ssyncset.done $0x0  }
0x83: {  	s28 =	simm.s32 $0x0;
	[sflag:s19] =	ssyncadd.s32 $0xFFFFD800  }
0x84: {  	v2 =	vld [tilespmem:s28+$0xA000]  }
0x85: {  	v5 =	vld [tilespmem:s28+$0xA010]  }
0x86: {  	v4 =	vld [tilespmem:s28+$0xA020]  }
0x87: {  	v3 =	vld [tilespmem:s28+$0xA030]  }
0x88: {  	v0 =	vld [tilespmem:s28+$0xA040]  }
0x89: {  	v1 =	vld [tilespmem:s28+$0xA050];
	v6 =	vmul.f32 $1.131370830e+01, v2  }
0x8a: {  	s29 =	simm.s32 $0x200;
	v5 =	vmul.f32 $1.131370830e+01, v5;
	v2 =	vld [tilespmem:s28+$0xA060]  }
.LBB2_9:
0x8b: {  	s1 =	sshra.s32 s29, $0x2;
	p1 =	sne.s32 s29, $0x9E00;
	[tilespmem:s28+$0xA000] =	vst v6;
	v4 =	vmul.f32 $1.131370830e+01, v4;
	v6 =	vld [tilespmem:s28+$0xA070]  }
0x8c: {  	v7 =	vld [tilespmem:s1+$0xA000];
	[tilespmem:s28+$0xA010] =	vst v5;
	v3 =	vmul.f32 $1.131370830e+01, v3  }
0x8d: {  	v5 =	vld [tilespmem:s1+$0xA010];
	[tilespmem:s28+$0xA020] =	vst v4;
	v0 =	vmul.f32 $1.131370830e+01, v0  }
.Ltmp5:
0x8e: {  	v4 =	vld [tilespmem:s1+$0xA020];
	[tilespmem:s28+$0xA030] =	vst v3;
	v1 =	vmul.f32 $1.131370830e+01, v1;
	(pc) =	sbr.rel @p1 .LBB2_9-.Ltmp5, $4  }
0x8f: {  	v3 =	vld [tilespmem:s1+$0xA030];
	[tilespmem:s28+$0xA040] =	vst v0;
	v2 =	vmul.f32 $1.131370830e+01, v2  }
0x90: {  	v0 =	vld [tilespmem:s1+$0xA040];
	[tilespmem:s28+$0xA050] =	vst v1;
	v8 =	vmul.f32 $1.131370830e+01, v6  }
0x91: {  	v6 =	vmul.f32 $1.131370830e+01, v7;
	v1 =	vld [tilespmem:s1+$0xA050];
	[tilespmem:s28+$0xA060] =	vst v2  }
0x92: {  	s29 =	sadd.s32 $0x200, s29;
	v5 =	vmul.f32 $1.131370830e+01, v5;
	v2 =	vld [tilespmem:s1+$0xA060];
	[tilespmem:s28+$0xA070] =	vst v8;
	s28 =	smov.u32 s1  }
0x93: {  	[tilespmem:s28+$0xA000] =	vst v6;
	v4 =	vmul.f32 $1.131370830e+01, v4;
	v61 =	vld [tilespmem:s28+$0xA070]  }
0x94: {  	[tilespmem:s28+$0xA010] =	vst v5;
	v3 =	vmul.f32 $1.131370830e+01, v3  }
0x95: {  	[tilespmem:s28+$0xA020] =	vst v4;
	v0 =	vmul.f32 $1.131370830e+01, v0  }
0x96: {  	s1 =	smul.u32 $0x50, s26;
	[tilespmem:s28+$0xA030] =	vst v3;
	v1 =	vmul.f32 $1.131370830e+01, v1  }
.Ltmp6:
0x97: {  	[tilespmem:s28+$0xA040] =	vst v0;
	v62 =	vmul.f32 $1.131370830e+01, v2;
	(pc) =	sbr.rel @p0 .LBB2_12-.Ltmp6, $4  }
0x98: {  	s1 =	sadd.s32 s5, s1;
	[tilespmem:s28+$0xA050] =	vst v1;
	v63 =	vmul.f32 $1.131370830e+01, v61  }
0x99: {  	s1 =	sshll.u32 s1, $0x4;
	[tilespmem:s28+$0xA060] =	vst v62  }
0x9a: {  	s1 =	sadd.s32 s3, s1;
	[tilespmem:s28+$0xA070] =	vst v63  }
0x9b: {  	[hbm4b:s1+s4] =	stream.linear.scatter [tilespmem:s17], [sflag:$0x8], $0x2800, $0x38;
	[tilespmem:$0xC800] =	vst v63  }
.Ltmp7:
0x9c: {  	(pc) =	sbr.rel .LBB2_2-.Ltmp7, $4  }
0x9d: {  	_ =	swait.ge [sflag:s21], $0x2800;
	s1 =	sshll.u32 s25, $0x9  }
0x9e: {  	[sflag:s21] =	ssyncset.done $0x0;
	s1 =	sand.u32 $0x3FFFFE00, s1  }
0x9f: {  	s25 =	sadd.s32 $0x1, s25;
	[sflag:s21] =	ssyncadd.s32 $0xFFFFD800;
	s1 =	sadd.s32 $0x280, s1  }
0xa0: {  	[tilespmem:s13], [sflag:$0x2] =	stream.indirect.gather [hbm4b:s2+s10], $0x80, s1, s10, $0xb8;
	[tilespmem:$0xC800] =	vst v63  }
.LBB2_13:
0xa1: {  	_ =	sfence.sel $0x180000  }
0xa2: {  	[bflag:$0x0] =	sbarrier.arrive $0xFFFF  }
0xa3: {  	_ =	strace $0x90000047  }
0xa4: {  	[bflag:$0x2] =	sbarrier.arrive $0xFFFF  }
0xa5: {  	p0 =	sne.s32 s0, $0x0;
	s0 =	rddreg [dreg:$0x3]  }
0xa6: {  	s0 =	sadd.s32 @!p0 $0x100000, s0  }
0xa7: {  	[sflag:s0] =	ssyncadd.tile.s32 @!p0 $0x1;
	_ =	shalt  }
.Lfunc_end2:
_tile_overlayer_lowered:
.L_overlay_start_2:
0xa8: {  	(tag) =	ssettag $0x2  }
0xa9: {  	s0 =	rddreg [dreg:$0x0];
	s2 =	stileid.u32  }
0xaa: {  	s1 =	rddreg [dreg:$0x1];
	p0 =	sne.s32 s2, $0x0  }
0xab: {  	s3 =	rddreg [dreg:$0x2];
	[bflag:$0x3] =	sbarrier.arrive $0xFFFF;
	s2 =	simm.s32 @!p0 $0x1C09  }
0xac: {  	[timem:s3], [sflag:s2] =	dma.local @!p0 [hbm:s0], s1  }
0xad: {  	s0 =	simm.s32 @!p0 $0x9  }
0xae: {  	_ =	swait.ge @!p0 [sflag:s0], s1  }
0xaf: {  	s1 =	ssub.s32 @!p0 $0x0, s1;
	[sflag:s0] =	ssyncset.done @!p0 $0x0  }
0xb0: {  	[sflag:s0] =	ssyncadd.s32 @!p0 s1  }
0xb1: {  	[bflag:$0x3] =	sbarrier.arrive $0xFFFF  }
0xb2: {  	_ =	shalt  }

</sc_bundles>
